<compile_context>
chip_gen: v7x
topology: tpu7x:2x2x1
jax: 0.10.2.dev20260603
libtpu: 0.0.44.dev20260713+nightly
codegen_flags: <defaults>
</compile_context>

<pallas_src>
import functools

import jax
import jax.numpy as jnp
from jax import lax
from jax.experimental import pallas as pl
from jax.experimental.pallas import tpu as pltpu
from jax.experimental.pallas import tpu_sc as plsc

NUM_ACTIONS = 1000000
LATENT_DIM = 32
BATCH = 16384
HIST = 50

_NC = 2
_NS = 16
_NW = _NC * _NS

_NB = BATCH // _NW


def _gather_kernel(table_hbm, idxT_hbm, out_hbm,
                   idx0, idx1, rows0, rows1,
                   si0, si1, sg0, sg1, so0, so1):
    wid = lax.axis_index("s") * _NC + lax.axis_index("c")
    b0 = wid * _NB

    idx_v = (idx0, idx1)
    rows_v = (rows0, rows1)
    si = (si0, si1)
    sg = (sg0, sg1)
    so = (so0, so1)

    def idx_start(h, s):
        pltpu.async_copy(idxT_hbm.at[h, pl.ds(b0, _NB)], idx_v[s], si[s])

    def idx_wait(h, s):
        pltpu.make_async_copy(
            idxT_hbm.at[h, pl.ds(b0, _NB)], idx_v[s], si[s]).wait()

    def gather_start(s):
        pltpu.async_copy(table_hbm.at[idx_v[s]], rows_v[s], sg[s])

    def gather_wait(s):
        pltpu.make_async_copy(
            table_hbm.at[idx_v[s]], rows_v[s], sg[s]).wait()

    def out_start(h, s):
        pltpu.async_copy(rows_v[s], out_hbm.at[h, pl.ds(b0, _NB)], so[s])

    def out_wait(h, s):
        pltpu.make_async_copy(
            rows_v[s], out_hbm.at[h, pl.ds(b0, _NB)], so[s]).wait()

    def step(h, s, wait_prev_store, next_gather, next_idx):
        gather_wait(s)
        if wait_prev_store:
            out_wait(h - 1, 1 - s)
        if next_gather:
            idx_wait(h + 1, 1 - s)
            gather_start(1 - s)
        out_start(h, s)
        if next_idx:
            idx_start(h + 2, s)

    idx_start(0, 0)
    idx_wait(0, 0)
    gather_start(0)
    idx_start(1, 1)
    step(0, 0, False, True, True)

    def body(j, carry):
        h = 2 * j + 1
        step(h, 1, True, True, True)
        step(h + 1, 0, True, True, True)
        return carry

    step(1, 1, True, True, True)
    step(2, 0, True, True, True)
    lax.fori_loop(1, HIST // 2 - 2, body, 0)

    step(HIST - 3, 1, True, True, True)
    step(HIST - 2, 0, True, True, False)
    step(HIST - 1, 1, True, False, False)
    out_wait(HIST - 1, 1)


@jax.jit
def _embed_lookup(idxT, table):
    mesh = plsc.VectorSubcoreMesh(core_axis_name="c", subcore_axis_name="s")
    kfn = functools.partial(
        pl.kernel,
        mesh=mesh,
        out_type=jax.ShapeDtypeStruct((HIST, BATCH, LATENT_DIM), jnp.float32),
        scratch_types=[
            pltpu.VMEM((_NB,), jnp.int32),
            pltpu.VMEM((_NB,), jnp.int32),
            pltpu.VMEM((_NB, LATENT_DIM), jnp.float32),
            pltpu.VMEM((_NB, LATENT_DIM), jnp.float32),
            pltpu.SemaphoreType.DMA,
            pltpu.SemaphoreType.DMA,
            pltpu.SemaphoreType.DMA,
            pltpu.SemaphoreType.DMA,
            pltpu.SemaphoreType.DMA,
            pltpu.SemaphoreType.DMA,
        ],
        compiler_params=pltpu.CompilerParams(use_tc_tiling_on_sc=False),
    )(_gather_kernel)
    return kfn(table, idxT)


def kernel(input, action_embedding):
    idxT = input.astype(jnp.int32).T
    out3 = _embed_lookup(idxT, action_embedding)
    return out3.transpose(1, 0, 2)

# --- scband reference (transcript-rebuilt; emitter-appended) ---
"""Pipeline reference for scband-embed-style-39024072852085 (READ-ONLY COPY).

The authoritative reference and input builder live on the scoring server;
editing this copy changes nothing except your own understanding.
"""

import jax, jax.numpy as jnp
import numpy as np

NUM_ACTIONS = 1000000
LATENT_DIM = 32
BATCH = 16384
HIST = 50

def setup_inputs(seed: int = 0) -> dict:
    key = jax.random.key(seed)
    k_idx, k_emb = jax.random.split(key)
    input = jax.random.randint(k_idx, (BATCH, HIST), 0, NUM_ACTIONS, dtype=jnp.int64 if jax.config.jax_enable_x64 else jnp.int32)
    action_embedding = jax.random.normal(k_emb, (NUM_ACTIONS, LATENT_DIM), dtype=jnp.float32)
    return {"input": input, "action_embedding": action_embedding}

def reference(input, action_embedding):
    idx = input.astype(jnp.int32)
    output = jnp.take(action_embedding, idx, axis=0)
    return output

if __name__ == "__main__":
    import jax
    _d = setup_inputs()
    print(jax.jit(kernel)(*tuple(_d.values())))

</pallas_src>

<mosaic_0001>
#map = affine_map<(d0, d1) -> (0, 0)>
#map1 = affine_map<(d0, d1) -> (0, 0, 0)>
module attributes {stable_mosaic.version = 14 : i64} {
  func.func @_gather_kernel(%arg0: i32, %arg1: i32, %arg2: memref<1000000x32xf32, #tpu.memory_space<hbm>>, %arg3: memref<50x16384xi32, #tpu.memory_space<hbm>>, %arg4: memref<50x16384x32xf32, #tpu.memory_space<hbm>>, %arg5: memref<512xi32, #tpu.memory_space<vmem>>, %arg6: memref<512xi32, #tpu.memory_space<vmem>>, %arg7: memref<512x32xf32, #tpu.memory_space<vmem>>, %arg8: memref<512x32xf32, #tpu.memory_space<vmem>>, %arg9: memref<!tpu.dma_semaphore, #tpu.memory_space<semaphore_mem>>, %arg10: memref<!tpu.dma_semaphore, #tpu.memory_space<semaphore_mem>>, %arg11: memref<!tpu.dma_semaphore, #tpu.memory_space<semaphore_mem>>, %arg12: memref<!tpu.dma_semaphore, #tpu.memory_space<semaphore_mem>>, %arg13: memref<!tpu.dma_semaphore, #tpu.memory_space<semaphore_mem>>, %arg14: memref<!tpu.dma_semaphore, #tpu.memory_space<semaphore_mem>>) attributes {dimension_semantics = [#tpu.dimension_semantics<core_parallel>, #tpu.dimension_semantics<subcore_parallel>], iteration_bounds = array<i64: 2, 16>, scalar_prefetch = 0 : i64, scratch_operands = 10 : i64, tpu.core_type = #tpu.core_type<sc_vector_subcore>, window_params = [{transform_indices = #map}, {transform_indices = #map}, {transform_indices = #map1}]} {
    %mul3A = arith.constant 2 : i32
    %mul3A_0 = arith.muli %arg1, %mul3A : i32
    %add3A = arith.addi %mul3A_0, %arg0 : i32
    %mul3A_1 = arith.constant 512 : i32
    %mul3A_2 = arith.muli %add3A, %mul3A_1 : i32
    %dma_start3A = arith.constant 0 : i32
    %dma_start3A_3 = tpu.memref_slice %arg3[%dma_start3A, %mul3A_2] : memref<50x16384xi32, #tpu.memory_space<hbm>> -> memref<1x512xi32, #tpu.memory_space<hbm>>
    %dma_start3A_4 = tpu.memref_squeeze %dma_start3A_3 : memref<1x512xi32, #tpu.memory_space<hbm>> -> memref<512xi32, #tpu.memory_space<hbm>>
    %dma_start3A_5 = tpu.memref_slice %arg3[%dma_start3A, %mul3A_2] : memref<50x16384xi32, #tpu.memory_space<hbm>> -> memref<1x512xi32, #tpu.memory_space<hbm>>
    %dma_start3A_6 = tpu.memref_squeeze %dma_start3A_5 : memref<1x512xi32, #tpu.memory_space<hbm>> -> memref<512xi32, #tpu.memory_space<hbm>>
    tpu.enqueue_dma source(%dma_start3A_6 : memref<512xi32, #tpu.memory_space<hbm>>) target(%arg5 : memref<512xi32, #tpu.memory_space<vmem>>) target_semaphore(%arg9 : memref<!tpu.dma_semaphore, #tpu.memory_space<semaphore_mem>>)
    %dma_wait3A = arith.constant 0 : i32
    %dma_wait3A_7 = tpu.memref_slice %arg3[%dma_wait3A, %mul3A_2] : memref<50x16384xi32, #tpu.memory_space<hbm>> -> memref<1x512xi32, #tpu.memory_space<hbm>>
    %dma_wait3A_8 = tpu.memref_squeeze %dma_wait3A_7 : memref<1x512xi32, #tpu.memory_space<hbm>> -> memref<512xi32, #tpu.memory_space<hbm>>
    %dma_wait3A_9 = tpu.memref_slice %arg3[%dma_wait3A, %mul3A_2] : memref<50x16384xi32, #tpu.memory_space<hbm>> -> memref<1x512xi32, #tpu.memory_space<hbm>>
    %dma_wait3A_10 = tpu.memref_squeeze %dma_wait3A_9 : memref<1x512xi32, #tpu.memory_space<hbm>> -> memref<512xi32, #tpu.memory_space<hbm>>
    tpu.wait_dma2 semaphore(%arg9 : memref<!tpu.dma_semaphore, #tpu.memory_space<semaphore_mem>>) src(%dma_wait3A_10 : memref<512xi32, #tpu.memory_space<hbm>>) dst(%arg5 : memref<512xi32, #tpu.memory_space<vmem>>)
    %dma_start3A_11 = arith.constant 0 : i32
    %dma_start3A_12 = arith.constant 0 : i32
    %dma_start3A_13 = tpu.memref_slice %arg2[%dma_start3A_11, %dma_start3A_12] : memref<1000000x32xf32, #tpu.memory_space<hbm>> -> memref<1000000x32xf32, #tpu.memory_space<hbm>>
    tpu.enqueue_indirect_dma source(%dma_start3A_13 : memref<1000000x32xf32, #tpu.memory_space<hbm>>) target(%arg7 : memref<512x32xf32, #tpu.memory_space<vmem>>) offsets(%arg5 : memref<512xi32, #tpu.memory_space<vmem>>) semaphore(%arg11 : memref<!tpu.dma_semaphore, #tpu.memory_space<semaphore_mem>>)
    %dma_start3A_14 = arith.constant 1 : i32
    %dma_start3A_15 = tpu.memref_slice %arg3[%dma_start3A_14, %mul3A_2] : memref<50x16384xi32, #tpu.memory_space<hbm>> -> memref<1x512xi32, #tpu.memory_space<hbm>>
    %dma_start3A_16 = tpu.memref_squeeze %dma_start3A_15 : memref<1x512xi32, #tpu.memory_space<hbm>> -> memref<512xi32, #tpu.memory_space<hbm>>
    %dma_start3A_17 = tpu.memref_slice %arg3[%dma_start3A_14, %mul3A_2] : memref<50x16384xi32, #tpu.memory_space<hbm>> -> memref<1x512xi32, #tpu.memory_space<hbm>>
    %dma_start3A_18 = tpu.memref_squeeze %dma_start3A_17 : memref<1x512xi32, #tpu.memory_space<hbm>> -> memref<512xi32, #tpu.memory_space<hbm>>
    tpu.enqueue_dma source(%dma_start3A_18 : memref<512xi32, #tpu.memory_space<hbm>>) target(%arg6 : memref<512xi32, #tpu.memory_space<vmem>>) target_semaphore(%arg10 : memref<!tpu.dma_semaphore, #tpu.memory_space<semaphore_mem>>)
    %dma_wait3A_19 = arith.constant 0 : i32
    %dma_wait3A_20 = arith.constant 0 : i32
    %dma_wait3A_21 = tpu.memref_slice %arg2[%dma_wait3A_19, %dma_wait3A_20] : memref<1000000x32xf32, #tpu.memory_space<hbm>> -> memref<1000000x32xf32, #tpu.memory_space<hbm>>
    tpu.wait_indirect_dma semaphore(%arg11 : memref<!tpu.dma_semaphore, #tpu.memory_space<semaphore_mem>>) src(%dma_wait3A_21 : memref<1000000x32xf32, #tpu.memory_space<hbm>>) dst(%arg7 : memref<512x32xf32, #tpu.memory_space<vmem>>)
    %dma_wait3A_22 = arith.constant 1 : i32
    %dma_wait3A_23 = tpu.memref_slice %arg3[%dma_wait3A_22, %mul3A_2] : memref<50x16384xi32, #tpu.memory_space<hbm>> -> memref<1x512xi32, #tpu.memory_space<hbm>>
    %dma_wait3A_24 = tpu.memref_squeeze %dma_wait3A_23 : memref<1x512xi32, #tpu.memory_space<hbm>> -> memref<512xi32, #tpu.memory_space<hbm>>
    %dma_wait3A_25 = tpu.memref_slice %arg3[%dma_wait3A_22, %mul3A_2] : memref<50x16384xi32, #tpu.memory_space<hbm>> -> memref<1x512xi32, #tpu.memory_space<hbm>>
    %dma_wait3A_26 = tpu.memref_squeeze %dma_wait3A_25 : memref<1x512xi32, #tpu.memory_space<hbm>> -> memref<512xi32, #tpu.memory_space<hbm>>
    tpu.wait_dma2 semaphore(%arg10 : memref<!tpu.dma_semaphore, #tpu.memory_space<semaphore_mem>>) src(%dma_wait3A_26 : memref<512xi32, #tpu.memory_space<hbm>>) dst(%arg6 : memref<512xi32, #tpu.memory_space<vmem>>)
    %dma_start3A_27 = arith.constant 0 : i32
    %dma_start3A_28 = arith.constant 0 : i32
    %dma_start3A_29 = tpu.memref_slice %arg2[%dma_start3A_27, %dma_start3A_28] : memref<1000000x32xf32, #tpu.memory_space<hbm>> -> memref<1000000x32xf32, #tpu.memory_space<hbm>>
    tpu.enqueue_indirect_dma source(%dma_start3A_29 : memref<1000000x32xf32, #tpu.memory_space<hbm>>) target(%arg8 : memref<512x32xf32, #tpu.memory_space<vmem>>) offsets(%arg6 : memref<512xi32, #tpu.memory_space<vmem>>) semaphore(%arg12 : memref<!tpu.dma_semaphore, #tpu.memory_space<semaphore_mem>>)
    %dma_start3A_30 = arith.constant 0 : i32
    %dma_start3A_31 = arith.constant 0 : i32
    %dma_start3A_32 = tpu.memref_slice %arg4[%dma_start3A_30, %mul3A_2, %dma_start3A_31] : memref<50x16384x32xf32, #tpu.memory_space<hbm>> -> memref<1x512x32xf32, #tpu.memory_space<hbm>>
    %dma_start3A_33 = tpu.memref_squeeze %dma_start3A_32 : memref<1x512x32xf32, #tpu.memory_space<hbm>> -> memref<512x32xf32, #tpu.memory_space<hbm>>
    %dma_start3A_34 = arith.constant 0 : i32
    %dma_start3A_35 = tpu.memref_slice %arg4[%dma_start3A_30, %mul3A_2, %dma_start3A_34] : memref<50x16384x32xf32, #tpu.memory_space<hbm>> -> memref<1x512x32xf32, #tpu.memory_space<hbm>>
    %dma_start3A_36 = tpu.memref_squeeze %dma_start3A_35 : memref<1x512x32xf32, #tpu.memory_space<hbm>> -> memref<512x32xf32, #tpu.memory_space<hbm>>
    tpu.enqueue_dma source(%arg7 : memref<512x32xf32, #tpu.memory_space<vmem>>) target(%dma_start3A_36 : memref<512x32xf32, #tpu.memory_space<hbm>>) target_semaphore(%arg13 : memref<!tpu.dma_semaphore, #tpu.memory_space<semaphore_mem>>)
    %dma_start3A_37 = arith.constant 2 : i32
    %dma_start3A_38 = tpu.memref_slice %arg3[%dma_start3A_37, %mul3A_2] : memref<50x16384xi32, #tpu.memory_space<hbm>> -> memref<1x512xi32, #tpu.memory_space<hbm>>
    %dma_start3A_39 = tpu.memref_squeeze %dma_start3A_38 : memref<1x512xi32, #tpu.memory_space<hbm>> -> memref<512xi32, #tpu.memory_space<hbm>>
    %dma_start3A_40 = tpu.memref_slice %arg3[%dma_start3A_37, %mul3A_2] : memref<50x16384xi32, #tpu.memory_space<hbm>> -> memref<1x512xi32, #tpu.memory_space<hbm>>
    %dma_start3A_41 = tpu.memref_squeeze %dma_start3A_40 : memref<1x512xi32, #tpu.memory_space<hbm>> -> memref<512xi32, #tpu.memory_space<hbm>>
    tpu.enqueue_dma source(%dma_start3A_41 : memref<512xi32, #tpu.memory_space<hbm>>) target(%arg5 : memref<512xi32, #tpu.memory_space<vmem>>) target_semaphore(%arg9 : memref<!tpu.dma_semaphore, #tpu.memory_space<semaphore_mem>>)
    %dma_wait3A_42 = arith.constant 0 : i32
    %dma_wait3A_43 = arith.constant 0 : i32
    %dma_wait3A_44 = tpu.memref_slice %arg2[%dma_wait3A_42, %dma_wait3A_43] : memref<1000000x32xf32, #tpu.memory_space<hbm>> -> memref<1000000x32xf32, #tpu.memory_space<hbm>>
    tpu.wait_indirect_dma semaphore(%arg12 : memref<!tpu.dma_semaphore, #tpu.memory_space<semaphore_mem>>) src(%dma_wait3A_44 : memref<1000000x32xf32, #tpu.memory_space<hbm>>) dst(%arg8 : memref<512x32xf32, #tpu.memory_space<vmem>>)
    %dma_wait3A_45 = arith.constant 0 : i32
    %dma_wait3A_46 = arith.constant 0 : i32
    %dma_wait3A_47 = tpu.memref_slice %arg4[%dma_wait3A_45, %mul3A_2, %dma_wait3A_46] : memref<50x16384x32xf32, #tpu.memory_space<hbm>> -> memref<1x512x32xf32, #tpu.memory_space<hbm>>
    %dma_wait3A_48 = tpu.memref_squeeze %dma_wait3A_47 : memref<1x512x32xf32, #tpu.memory_space<hbm>> -> memref<512x32xf32, #tpu.memory_space<hbm>>
    %dma_wait3A_49 = arith.constant 0 : i32
    %dma_wait3A_50 = tpu.memref_slice %arg4[%dma_wait3A_45, %mul3A_2, %dma_wait3A_49] : memref<50x16384x32xf32, #tpu.memory_space<hbm>> -> memref<1x512x32xf32, #tpu.memory_space<hbm>>
    %dma_wait3A_51 = tpu.memref_squeeze %dma_wait3A_50 : memref<1x512x32xf32, #tpu.memory_space<hbm>> -> memref<512x32xf32, #tpu.memory_space<hbm>>
    tpu.wait_dma2 semaphore(%arg13 : memref<!tpu.dma_semaphore, #tpu.memory_space<semaphore_mem>>) src(%arg7 : memref<512x32xf32, #tpu.memory_space<vmem>>) dst(%dma_wait3A_51 : memref<512x32xf32, #tpu.memory_space<hbm>>)
    %dma_wait3A_52 = arith.constant 2 : i32
    %dma_wait3A_53 = tpu.memref_slice %arg3[%dma_wait3A_52, %mul3A_2] : memref<50x16384xi32, #tpu.memory_space<hbm>> -> memref<1x512xi32, #tpu.memory_space<hbm>>
    %dma_wait3A_54 = tpu.memref_squeeze %dma_wait3A_53 : memref<1x512xi32, #tpu.memory_space<hbm>> -> memref<512xi32, #tpu.memory_space<hbm>>
    %dma_wait3A_55 = tpu.memref_slice %arg3[%dma_wait3A_52, %mul3A_2] : memref<50x16384xi32, #tpu.memory_space<hbm>> -> memref<1x512xi32, #tpu.memory_space<hbm>>
    %dma_wait3A_56 = tpu.memref_squeeze %dma_wait3A_55 : memref<1x512xi32, #tpu.memory_space<hbm>> -> memref<512xi32, #tpu.memory_space<hbm>>
    tpu.wait_dma2 semaphore(%arg9 : memref<!tpu.dma_semaphore, #tpu.memory_space<semaphore_mem>>) src(%dma_wait3A_56 : memref<512xi32, #tpu.memory_space<hbm>>) dst(%arg5 : memref<512xi32, #tpu.memory_space<vmem>>)
    %dma_start3A_57 = arith.constant 0 : i32
    %dma_start3A_58 = arith.constant 0 : i32
    %dma_start3A_59 = tpu.memref_slice %arg2[%dma_start3A_57, %dma_start3A_58] : memref<1000000x32xf32, #tpu.memory_space<hbm>> -> memref<1000000x32xf32, #tpu.memory_space<hbm>>
    tpu.enqueue_indirect_dma source(%dma_start3A_59 : memref<1000000x32xf32, #tpu.memory_space<hbm>>) target(%arg7 : memref<512x32xf32, #tpu.memory_space<vmem>>) offsets(%arg5 : memref<512xi32, #tpu.memory_space<vmem>>) semaphore(%arg11 : memref<!tpu.dma_semaphore, #tpu.memory_space<semaphore_mem>>)
    %dma_start3A_60 = arith.constant 1 : i32
    %dma_start3A_61 = arith.constant 0 : i32
    %dma_start3A_62 = tpu.memref_slice %arg4[%dma_start3A_60, %mul3A_2, %dma_start3A_61] : memref<50x16384x32xf32, #tpu.memory_space<hbm>> -> memref<1x512x32xf32, #tpu.memory_space<hbm>>
    %dma_start3A_63 = tpu.memref_squeeze %dma_start3A_62 : memref<1x512x32xf32, #tpu.memory_space<hbm>> -> memref<512x32xf32, #tpu.memory_space<hbm>>
    %dma_start3A_64 = arith.constant 0 : i32
    %dma_start3A_65 = tpu.memref_slice %arg4[%dma_start3A_60, %mul3A_2, %dma_start3A_64] : memref<50x16384x32xf32, #tpu.memory_space<hbm>> -> memref<1x512x32xf32, #tpu.memory_space<hbm>>
    %dma_start3A_66 = tpu.memref_squeeze %dma_start3A_65 : memref<1x512x32xf32, #tpu.memory_space<hbm>> -> memref<512x32xf32, #tpu.memory_space<hbm>>
    tpu.enqueue_dma source(%arg8 : memref<512x32xf32, #tpu.memory_space<vmem>>) target(%dma_start3A_66 : memref<512x32xf32, #tpu.memory_space<hbm>>) target_semaphore(%arg14 : memref<!tpu.dma_semaphore, #tpu.memory_space<semaphore_mem>>)
    %dma_start3A_67 = arith.constant 3 : i32
    %dma_start3A_68 = tpu.memref_slice %arg3[%dma_start3A_67, %mul3A_2] : memref<50x16384xi32, #tpu.memory_space<hbm>> -> memref<1x512xi32, #tpu.memory_space<hbm>>
    %dma_start3A_69 = tpu.memref_squeeze %dma_start3A_68 : memref<1x512xi32, #tpu.memory_space<hbm>> -> memref<512xi32, #tpu.memory_space<hbm>>
    %dma_start3A_70 = tpu.memref_slice %arg3[%dma_start3A_67, %mul3A_2] : memref<50x16384xi32, #tpu.memory_space<hbm>> -> memref<1x512xi32, #tpu.memory_space<hbm>>
    %dma_start3A_71 = tpu.memref_squeeze %dma_start3A_70 : memref<1x512xi32, #tpu.memory_space<hbm>> -> memref<512xi32, #tpu.memory_space<hbm>>
    tpu.enqueue_dma source(%dma_start3A_71 : memref<512xi32, #tpu.memory_space<hbm>>) target(%arg6 : memref<512xi32, #tpu.memory_space<vmem>>) target_semaphore(%arg10 : memref<!tpu.dma_semaphore, #tpu.memory_space<semaphore_mem>>)
    %dma_wait3A_72 = arith.constant 0 : i32
    %dma_wait3A_73 = arith.constant 0 : i32
    %dma_wait3A_74 = tpu.memref_slice %arg2[%dma_wait3A_72, %dma_wait3A_73] : memref<1000000x32xf32, #tpu.memory_space<hbm>> -> memref<1000000x32xf32, #tpu.memory_space<hbm>>
    tpu.wait_indirect_dma semaphore(%arg11 : memref<!tpu.dma_semaphore, #tpu.memory_space<semaphore_mem>>) src(%dma_wait3A_74 : memref<1000000x32xf32, #tpu.memory_space<hbm>>) dst(%arg7 : memref<512x32xf32, #tpu.memory_space<vmem>>)
    %dma_wait3A_75 = arith.constant 1 : i32
    %dma_wait3A_76 = arith.constant 0 : i32
    %dma_wait3A_77 = tpu.memref_slice %arg4[%dma_wait3A_75, %mul3A_2, %dma_wait3A_76] : memref<50x16384x32xf32, #tpu.memory_space<hbm>> -> memref<1x512x32xf32, #tpu.memory_space<hbm>>
    %dma_wait3A_78 = tpu.memref_squeeze %dma_wait3A_77 : memref<1x512x32xf32, #tpu.memory_space<hbm>> -> memref<512x32xf32, #tpu.memory_space<hbm>>
    %dma_wait3A_79 = arith.constant 0 : i32
    %dma_wait3A_80 = tpu.memref_slice %arg4[%dma_wait3A_75, %mul3A_2, %dma_wait3A_79] : memref<50x16384x32xf32, #tpu.memory_space<hbm>> -> memref<1x512x32xf32, #tpu.memory_space<hbm>>
    %dma_wait3A_81 = tpu.memref_squeeze %dma_wait3A_80 : memref<1x512x32xf32, #tpu.memory_space<hbm>> -> memref<512x32xf32, #tpu.memory_space<hbm>>
    tpu.wait_dma2 semaphore(%arg14 : memref<!tpu.dma_semaphore, #tpu.memory_space<semaphore_mem>>) src(%arg8 : memref<512x32xf32, #tpu.memory_space<vmem>>) dst(%dma_wait3A_81 : memref<512x32xf32, #tpu.memory_space<hbm>>)
    %dma_wait3A_82 = arith.constant 3 : i32
    %dma_wait3A_83 = tpu.memref_slice %arg3[%dma_wait3A_82, %mul3A_2] : memref<50x16384xi32, #tpu.memory_space<hbm>> -> memref<1x512xi32, #tpu.memory_space<hbm>>
    %dma_wait3A_84 = tpu.memref_squeeze %dma_wait3A_83 : memref<1x512xi32, #tpu.memory_space<hbm>> -> memref<512xi32, #tpu.memory_space<hbm>>
    %dma_wait3A_85 = tpu.memref_slice %arg3[%dma_wait3A_82, %mul3A_2] : memref<50x16384xi32, #tpu.memory_space<hbm>> -> memref<1x512xi32, #tpu.memory_space<hbm>>
    %dma_wait3A_86 = tpu.memref_squeeze %dma_wait3A_85 : memref<1x512xi32, #tpu.memory_space<hbm>> -> memref<512xi32, #tpu.memory_space<hbm>>
    tpu.wait_dma2 semaphore(%arg10 : memref<!tpu.dma_semaphore, #tpu.memory_space<semaphore_mem>>) src(%dma_wait3A_86 : memref<512xi32, #tpu.memory_space<hbm>>) dst(%arg6 : memref<512xi32, #tpu.memory_space<vmem>>)
    %dma_start3A_87 = arith.constant 0 : i32
    %dma_start3A_88 = arith.constant 0 : i32
    %dma_start3A_89 = tpu.memref_slice %arg2[%dma_start3A_87, %dma_start3A_88] : memref<1000000x32xf32, #tpu.memory_space<hbm>> -> memref<1000000x32xf32, #tpu.memory_space<hbm>>
    tpu.enqueue_indirect_dma source(%dma_start3A_89 : memref<1000000x32xf32, #tpu.memory_space<hbm>>) target(%arg8 : memref<512x32xf32, #tpu.memory_space<vmem>>) offsets(%arg6 : memref<512xi32, #tpu.memory_space<vmem>>) semaphore(%arg12 : memref<!tpu.dma_semaphore, #tpu.memory_space<semaphore_mem>>)
    %dma_start3A_90 = arith.constant 2 : i32
    %dma_start3A_91 = arith.constant 0 : i32
    %dma_start3A_92 = tpu.memref_slice %arg4[%dma_start3A_90, %mul3A_2, %dma_start3A_91] : memref<50x16384x32xf32, #tpu.memory_space<hbm>> -> memref<1x512x32xf32, #tpu.memory_space<hbm>>
    %dma_start3A_93 = tpu.memref_squeeze %dma_start3A_92 : memref<1x512x32xf32, #tpu.memory_space<hbm>> -> memref<512x32xf32, #tpu.memory_space<hbm>>
    %dma_start3A_94 = arith.constant 0 : i32
    %dma_start3A_95 = tpu.memref_slice %arg4[%dma_start3A_90, %mul3A_2, %dma_start3A_94] : memref<50x16384x32xf32, #tpu.memory_space<hbm>> -> memref<1x512x32xf32, #tpu.memory_space<hbm>>
    %dma_start3A_96 = tpu.memref_squeeze %dma_start3A_95 : memref<1x512x32xf32, #tpu.memory_space<hbm>> -> memref<512x32xf32, #tpu.memory_space<hbm>>
    tpu.enqueue_dma source(%arg7 : memref<512x32xf32, #tpu.memory_space<vmem>>) target(%dma_start3A_96 : memref<512x32xf32, #tpu.memory_space<hbm>>) target_semaphore(%arg13 : memref<!tpu.dma_semaphore, #tpu.memory_space<semaphore_mem>>)
    %dma_start3A_97 = arith.constant 4 : i32
    %dma_start3A_98 = tpu.memref_slice %arg3[%dma_start3A_97, %mul3A_2] : memref<50x16384xi32, #tpu.memory_space<hbm>> -> memref<1x512xi32, #tpu.memory_space<hbm>>
    %dma_start3A_99 = tpu.memref_squeeze %dma_start3A_98 : memref<1x512xi32, #tpu.memory_space<hbm>> -> memref<512xi32, #tpu.memory_space<hbm>>
    %dma_start3A_100 = tpu.memref_slice %arg3[%dma_start3A_97, %mul3A_2] : memref<50x16384xi32, #tpu.memory_space<hbm>> -> memref<1x512xi32, #tpu.memory_space<hbm>>
    %dma_start3A_101 = tpu.memref_squeeze %dma_start3A_100 : memref<1x512xi32, #tpu.memory_space<hbm>> -> memref<512xi32, #tpu.memory_space<hbm>>
    tpu.enqueue_dma source(%dma_start3A_101 : memref<512xi32, #tpu.memory_space<hbm>>) target(%arg5 : memref<512xi32, #tpu.memory_space<vmem>>) target_semaphore(%arg9 : memref<!tpu.dma_semaphore, #tpu.memory_space<semaphore_mem>>)
    %scan3A = arith.constant 0 : i32
    %scan3A_102 = arith.constant 1 : i32
    %scan3A_103 = arith.constant 22 : i32
    %scan3A_104 = arith.addi %scan3A_102, %scan3A_103 : i32
    %scan3A_105 = arith.constant 1 : i32
    scf.for %scan3A_186 = %scan3A_102 to %scan3A_104 step %scan3A_105  : i32 {
      %mul3A_187 = arith.constant 2 : i32
      %mul3A_188 = arith.muli %mul3A_187, %scan3A_186 : i32
      %add3A_189 = arith.constant 1 : i32
      %add3A_190 = arith.addi %mul3A_188, %add3A_189 : i32
      %dma_wait3A_191 = arith.constant 0 : i32
      %dma_wait3A_192 = arith.constant 0 : i32
      %dma_wait3A_193 = tpu.memref_slice %arg2[%dma_wait3A_191, %dma_wait3A_192] : memref<1000000x32xf32, #tpu.memory_space<hbm>> -> memref<1000000x32xf32, #tpu.memory_space<hbm>>
      tpu.wait_indirect_dma semaphore(%arg12 : memref<!tpu.dma_semaphore, #tpu.memory_space<semaphore_mem>>) src(%dma_wait3A_193 : memref<1000000x32xf32, #tpu.memory_space<hbm>>) dst(%arg8 : memref<512x32xf32, #tpu.memory_space<vmem>>)
      %sub3A = arith.constant 1 : i32
      %sub3A_194 = arith.subi %add3A_190, %sub3A : i32
      %dma_wait3A_195 = arith.constant 0 : i32
      %dma_wait3A_196 = tpu.memref_slice %arg4[%sub3A_194, %mul3A_2, %dma_wait3A_195] : memref<50x16384x32xf32, #tpu.memory_space<hbm>> -> memref<1x512x32xf32, #tpu.memory_space<hbm>>
      %dma_wait3A_197 = tpu.memref_squeeze %dma_wait3A_196 : memref<1x512x32xf32, #tpu.memory_space<hbm>> -> memref<512x32xf32, #tpu.memory_space<hbm>>
      %dma_wait3A_198 = arith.constant 0 : i32
      %dma_wait3A_199 = tpu.memref_slice %arg4[%sub3A_194, %mul3A_2, %dma_wait3A_198] : memref<50x16384x32xf32, #tpu.memory_space<hbm>> -> memref<1x512x32xf32, #tpu.memory_space<hbm>>
      %dma_wait3A_200 = tpu.memref_squeeze %dma_wait3A_199 : memref<1x512x32xf32, #tpu.memory_space<hbm>> -> memref<512x32xf32, #tpu.memory_space<hbm>>
      tpu.wait_dma2 semaphore(%arg13 : memref<!tpu.dma_semaphore, #tpu.memory_space<semaphore_mem>>) src(%arg7 : memref<512x32xf32, #tpu.memory_space<vmem>>) dst(%dma_wait3A_200 : memref<512x32xf32, #tpu.memory_space<hbm>>)
      %add3A_201 = arith.constant 1 : i32
      %add3A_202 = arith.addi %add3A_190, %add3A_201 : i32
      %dma_wait3A_203 = tpu.memref_slice %arg3[%add3A_202, %mul3A_2] : memref<50x16384xi32, #tpu.memory_space<hbm>> -> memref<1x512xi32, #tpu.memory_space<hbm>>
      %dma_wait3A_204 = tpu.memref_squeeze %dma_wait3A_203 : memref<1x512xi32, #tpu.memory_space<hbm>> -> memref<512xi32, #tpu.memory_space<hbm>>
      %dma_wait3A_205 = tpu.memref_slice %arg3[%add3A_202, %mul3A_2] : memref<50x16384xi32, #tpu.memory_space<hbm>> -> memref<1x512xi32, #tpu.memory_space<hbm>>
      %dma_wait3A_206 = tpu.memref_squeeze %dma_wait3A_205 : memref<1x512xi32, #tpu.memory_space<hbm>> -> memref<512xi32, #tpu.memory_space<hbm>>
      tpu.wait_dma2 semaphore(%arg9 : memref<!tpu.dma_semaphore, #tpu.memory_space<semaphore_mem>>) src(%dma_wait3A_206 : memref<512xi32, #tpu.memory_space<hbm>>) dst(%arg5 : memref<512xi32, #tpu.memory_space<vmem>>)
      %dma_start3A_207 = arith.constant 0 : i32
      %dma_start3A_208 = arith.constant 0 : i32
      %dma_start3A_209 = tpu.memref_slice %arg2[%dma_start3A_207, %dma_start3A_208] : memref<1000000x32xf32, #tpu.memory_space<hbm>> -> memref<1000000x32xf32, #tpu.memory_space<hbm>>
      tpu.enqueue_indirect_dma source(%dma_start3A_209 : memref<1000000x32xf32, #tpu.memory_space<hbm>>) target(%arg7 : memref<512x32xf32, #tpu.memory_space<vmem>>) offsets(%arg5 : memref<512xi32, #tpu.memory_space<vmem>>) semaphore(%arg11 : memref<!tpu.dma_semaphore, #tpu.memory_space<semaphore_mem>>)
      %dma_start3A_210 = arith.constant 0 : i32
      %dma_start3A_211 = tpu.memref_slice %arg4[%add3A_190, %mul3A_2, %dma_start3A_210] : memref<50x16384x32xf32, #tpu.memory_space<hbm>> -> memref<1x512x32xf32, #tpu.memory_space<hbm>>
      %dma_start3A_212 = tpu.memref_squeeze %dma_start3A_211 : memref<1x512x32xf32, #tpu.memory_space<hbm>> -> memref<512x32xf32, #tpu.memory_space<hbm>>
      %dma_start3A_213 = arith.constant 0 : i32
      %dma_start3A_214 = tpu.memref_slice %arg4[%add3A_190, %mul3A_2, %dma_start3A_213] : memref<50x16384x32xf32, #tpu.memory_space<hbm>> -> memref<1x512x32xf32, #tpu.memory_space<hbm>>
      %dma_start3A_215 = tpu.memref_squeeze %dma_start3A_214 : memref<1x512x32xf32, #tpu.memory_space<hbm>> -> memref<512x32xf32, #tpu.memory_space<hbm>>
      tpu.enqueue_dma source(%arg8 : memref<512x32xf32, #tpu.memory_space<vmem>>) target(%dma_start3A_215 : memref<512x32xf32, #tpu.memory_space<hbm>>) target_semaphore(%arg14 : memref<!tpu.dma_semaphore, #tpu.memory_space<semaphore_mem>>)
      %add3A_216 = arith.constant 2 : i32
      %add3A_217 = arith.addi %add3A_190, %add3A_216 : i32
      %dma_start3A_218 = tpu.memref_slice %arg3[%add3A_217, %mul3A_2] : memref<50x16384xi32, #tpu.memory_space<hbm>> -> memref<1x512xi32, #tpu.memory_space<hbm>>
      %dma_start3A_219 = tpu.memref_squeeze %dma_start3A_218 : memref<1x512xi32, #tpu.memory_space<hbm>> -> memref<512xi32, #tpu.memory_space<hbm>>
      %dma_start3A_220 = tpu.memref_slice %arg3[%add3A_217, %mul3A_2] : memref<50x16384xi32, #tpu.memory_space<hbm>> -> memref<1x512xi32, #tpu.memory_space<hbm>>
      %dma_start3A_221 = tpu.memref_squeeze %dma_start3A_220 : memref<1x512xi32, #tpu.memory_space<hbm>> -> memref<512xi32, #tpu.memory_space<hbm>>
      tpu.enqueue_dma source(%dma_start3A_221 : memref<512xi32, #tpu.memory_space<hbm>>) target(%arg6 : memref<512xi32, #tpu.memory_space<vmem>>) target_semaphore(%arg10 : memref<!tpu.dma_semaphore, #tpu.memory_space<semaphore_mem>>)
      %add3A_222 = arith.constant 1 : i32
      %add3A_223 = arith.addi %add3A_190, %add3A_222 : i32
      %dma_wait3A_224 = arith.constant 0 : i32
      %dma_wait3A_225 = arith.constant 0 : i32
      %dma_wait3A_226 = tpu.memref_slice %arg2[%dma_wait3A_224, %dma_wait3A_225] : memref<1000000x32xf32, #tpu.memory_space<hbm>> -> memref<1000000x32xf32, #tpu.memory_space<hbm>>
      tpu.wait_indirect_dma semaphore(%arg11 : memref<!tpu.dma_semaphore, #tpu.memory_space<semaphore_mem>>) src(%dma_wait3A_226 : memref<1000000x32xf32, #tpu.memory_space<hbm>>) dst(%arg7 : memref<512x32xf32, #tpu.memory_space<vmem>>)
      %sub3A_227 = arith.constant 1 : i32
      %sub3A_228 = arith.subi %add3A_223, %sub3A_227 : i32
      %dma_wait3A_229 = arith.constant 0 : i32
      %dma_wait3A_230 = tpu.memref_slice %arg4[%sub3A_228, %mul3A_2, %dma_wait3A_229] : memref<50x16384x32xf32, #tpu.memory_space<hbm>> -> memref<1x512x32xf32, #tpu.memory_space<hbm>>
      %dma_wait3A_231 = tpu.memref_squeeze %dma_wait3A_230 : memref<1x512x32xf32, #tpu.memory_space<hbm>> -> memref<512x32xf32, #tpu.memory_space<hbm>>
      %dma_wait3A_232 = arith.constant 0 : i32
      %dma_wait3A_233 = tpu.memref_slice %arg4[%sub3A_228, %mul3A_2, %dma_wait3A_232] : memref<50x16384x32xf32, #tpu.memory_space<hbm>> -> memref<1x512x32xf32, #tpu.memory_space<hbm>>
      %dma_wait3A_234 = tpu.memref_squeeze %dma_wait3A_233 : memref<1x512x32xf32, #tpu.memory_space<hbm>> -> memref<512x32xf32, #tpu.memory_space<hbm>>
      tpu.wait_dma2 semaphore(%arg14 : memref<!tpu.dma_semaphore, #tpu.memory_space<semaphore_mem>>) src(%arg8 : memref<512x32xf32, #tpu.memory_space<vmem>>) dst(%dma_wait3A_234 : memref<512x32xf32, #tpu.memory_space<hbm>>)
      %add3A_235 = arith.constant 1 : i32
      %add3A_236 = arith.addi %add3A_223, %add3A_235 : i32
      %dma_wait3A_237 = tpu.memref_slice %arg3[%add3A_236, %mul3A_2] : memref<50x16384xi32, #tpu.memory_space<hbm>> -> memref<1x512xi32, #tpu.memory_space<hbm>>
      %dma_wait3A_238 = tpu.memref_squeeze %dma_wait3A_237 : memref<1x512xi32, #tpu.memory_space<hbm>> -> memref<512xi32, #tpu.memory_space<hbm>>
      %dma_wait3A_239 = tpu.memref_slice %arg3[%add3A_236, %mul3A_2] : memref<50x16384xi32, #tpu.memory_space<hbm>> -> memref<1x512xi32, #tpu.memory_space<hbm>>
      %dma_wait3A_240 = tpu.memref_squeeze %dma_wait3A_239 : memref<1x512xi32, #tpu.memory_space<hbm>> -> memref<512xi32, #tpu.memory_space<hbm>>
      tpu.wait_dma2 semaphore(%arg10 : memref<!tpu.dma_semaphore, #tpu.memory_space<semaphore_mem>>) src(%dma_wait3A_240 : memref<512xi32, #tpu.memory_space<hbm>>) dst(%arg6 : memref<512xi32, #tpu.memory_space<vmem>>)
      %dma_start3A_241 = arith.constant 0 : i32
      %dma_start3A_242 = arith.constant 0 : i32
      %dma_start3A_243 = tpu.memref_slice %arg2[%dma_start3A_241, %dma_start3A_242] : memref<1000000x32xf32, #tpu.memory_space<hbm>> -> memref<1000000x32xf32, #tpu.memory_space<hbm>>
      tpu.enqueue_indirect_dma source(%dma_start3A_243 : memref<1000000x32xf32, #tpu.memory_space<hbm>>) target(%arg8 : memref<512x32xf32, #tpu.memory_space<vmem>>) offsets(%arg6 : memref<512xi32, #tpu.memory_space<vmem>>) semaphore(%arg12 : memref<!tpu.dma_semaphore, #tpu.memory_space<semaphore_mem>>)
      %dma_start3A_244 = arith.constant 0 : i32
      %dma_start3A_245 = tpu.memref_slice %arg4[%add3A_223, %mul3A_2, %dma_start3A_244] : memref<50x16384x32xf32, #tpu.memory_space<hbm>> -> memref<1x512x32xf32, #tpu.memory_space<hbm>>
      %dma_start3A_246 = tpu.memref_squeeze %dma_start3A_245 : memref<1x512x32xf32, #tpu.memory_space<hbm>> -> memref<512x32xf32, #tpu.memory_space<hbm>>
      %dma_start3A_247 = arith.constant 0 : i32
      %dma_start3A_248 = tpu.memref_slice %arg4[%add3A_223, %mul3A_2, %dma_start3A_247] : memref<50x16384x32xf32, #tpu.memory_space<hbm>> -> memref<1x512x32xf32, #tpu.memory_space<hbm>>
      %dma_start3A_249 = tpu.memref_squeeze %dma_start3A_248 : memref<1x512x32xf32, #tpu.memory_space<hbm>> -> memref<512x32xf32, #tpu.memory_space<hbm>>
      tpu.enqueue_dma source(%arg7 : memref<512x32xf32, #tpu.memory_space<vmem>>) target(%dma_start3A_249 : memref<512x32xf32, #tpu.memory_space<hbm>>) target_semaphore(%arg13 : memref<!tpu.dma_semaphore, #tpu.memory_space<semaphore_mem>>)
      %add3A_250 = arith.constant 2 : i32
      %add3A_251 = arith.addi %add3A_223, %add3A_250 : i32
      %dma_start3A_252 = tpu.memref_slice %arg3[%add3A_251, %mul3A_2] : memref<50x16384xi32, #tpu.memory_space<hbm>> -> memref<1x512xi32, #tpu.memory_space<hbm>>
      %dma_start3A_253 = tpu.memref_squeeze %dma_start3A_252 : memref<1x512xi32, #tpu.memory_space<hbm>> -> memref<512xi32, #tpu.memory_space<hbm>>
      %dma_start3A_254 = tpu.memref_slice %arg3[%add3A_251, %mul3A_2] : memref<50x16384xi32, #tpu.memory_space<hbm>> -> memref<1x512xi32, #tpu.memory_space<hbm>>
      %dma_start3A_255 = tpu.memref_squeeze %dma_start3A_254 : memref<1x512xi32, #tpu.memory_space<hbm>> -> memref<512xi32, #tpu.memory_space<hbm>>
      tpu.enqueue_dma source(%dma_start3A_255 : memref<512xi32, #tpu.memory_space<hbm>>) target(%arg5 : memref<512xi32, #tpu.memory_space<vmem>>) target_semaphore(%arg9 : memref<!tpu.dma_semaphore, #tpu.memory_space<semaphore_mem>>)
    }
    %scan3A_106 = arith.constant 22 : i32
    %dma_wait3A_107 = arith.constant 0 : i32
    %dma_wait3A_108 = arith.constant 0 : i32
    %dma_wait3A_109 = tpu.memref_slice %arg2[%dma_wait3A_107, %dma_wait3A_108] : memref<1000000x32xf32, #tpu.memory_space<hbm>> -> memref<1000000x32xf32, #tpu.memory_space<hbm>>
    tpu.wait_indirect_dma semaphore(%arg12 : memref<!tpu.dma_semaphore, #tpu.memory_space<semaphore_mem>>) src(%dma_wait3A_109 : memref<1000000x32xf32, #tpu.memory_space<hbm>>) dst(%arg8 : memref<512x32xf32, #tpu.memory_space<vmem>>)
    %dma_wait3A_110 = arith.constant 46 : i32
    %dma_wait3A_111 = arith.constant 0 : i32
    %dma_wait3A_112 = tpu.memref_slice %arg4[%dma_wait3A_110, %mul3A_2, %dma_wait3A_111] : memref<50x16384x32xf32, #tpu.memory_space<hbm>> -> memref<1x512x32xf32, #tpu.memory_space<hbm>>
    %dma_wait3A_113 = tpu.memref_squeeze %dma_wait3A_112 : memref<1x512x32xf32, #tpu.memory_space<hbm>> -> memref<512x32xf32, #tpu.memory_space<hbm>>
    %dma_wait3A_114 = arith.constant 0 : i32
    %dma_wait3A_115 = tpu.memref_slice %arg4[%dma_wait3A_110, %mul3A_2, %dma_wait3A_114] : memref<50x16384x32xf32, #tpu.memory_space<hbm>> -> memref<1x512x32xf32, #tpu.memory_space<hbm>>
    %dma_wait3A_116 = tpu.memref_squeeze %dma_wait3A_115 : memref<1x512x32xf32, #tpu.memory_space<hbm>> -> memref<512x32xf32, #tpu.memory_space<hbm>>
    tpu.wait_dma2 semaphore(%arg13 : memref<!tpu.dma_semaphore, #tpu.memory_space<semaphore_mem>>) src(%arg7 : memref<512x32xf32, #tpu.memory_space<vmem>>) dst(%dma_wait3A_116 : memref<512x32xf32, #tpu.memory_space<hbm>>)
    %dma_wait3A_117 = arith.constant 48 : i32
    %dma_wait3A_118 = tpu.memref_slice %arg3[%dma_wait3A_117, %mul3A_2] : memref<50x16384xi32, #tpu.memory_space<hbm>> -> memref<1x512xi32, #tpu.memory_space<hbm>>
    %dma_wait3A_119 = tpu.memref_squeeze %dma_wait3A_118 : memref<1x512xi32, #tpu.memory_space<hbm>> -> memref<512xi32, #tpu.memory_space<hbm>>
    %dma_wait3A_120 = tpu.memref_slice %arg3[%dma_wait3A_117, %mul3A_2] : memref<50x16384xi32, #tpu.memory_space<hbm>> -> memref<1x512xi32, #tpu.memory_space<hbm>>
    %dma_wait3A_121 = tpu.memref_squeeze %dma_wait3A_120 : memref<1x512xi32, #tpu.memory_space<hbm>> -> memref<512xi32, #tpu.memory_space<hbm>>
    tpu.wait_dma2 semaphore(%arg9 : memref<!tpu.dma_semaphore, #tpu.memory_space<semaphore_mem>>) src(%dma_wait3A_121 : memref<512xi32, #tpu.memory_space<hbm>>) dst(%arg5 : memref<512xi32, #tpu.memory_space<vmem>>)
    %dma_start3A_122 = arith.constant 0 : i32
    %dma_start3A_123 = arith.constant 0 : i32
    %dma_start3A_124 = tpu.memref_slice %arg2[%dma_start3A_122, %dma_start3A_123] : memref<1000000x32xf32, #tpu.memory_space<hbm>> -> memref<1000000x32xf32, #tpu.memory_space<hbm>>
    tpu.enqueue_indirect_dma source(%dma_start3A_124 : memref<1000000x32xf32, #tpu.memory_space<hbm>>) target(%arg7 : memref<512x32xf32, #tpu.memory_space<vmem>>) offsets(%arg5 : memref<512xi32, #tpu.memory_space<vmem>>) semaphore(%arg11 : memref<!tpu.dma_semaphore, #tpu.memory_space<semaphore_mem>>)
    %dma_start3A_125 = arith.constant 47 : i32
    %dma_start3A_126 = arith.constant 0 : i32
    %dma_start3A_127 = tpu.memref_slice %arg4[%dma_start3A_125, %mul3A_2, %dma_start3A_126] : memref<50x16384x32xf32, #tpu.memory_space<hbm>> -> memref<1x512x32xf32, #tpu.memory_space<hbm>>
    %dma_start3A_128 = tpu.memref_squeeze %dma_start3A_127 : memref<1x512x32xf32, #tpu.memory_space<hbm>> -> memref<512x32xf32, #tpu.memory_space<hbm>>
    %dma_start3A_129 = arith.constant 0 : i32
    %dma_start3A_130 = tpu.memref_slice %arg4[%dma_start3A_125, %mul3A_2, %dma_start3A_129] : memref<50x16384x32xf32, #tpu.memory_space<hbm>> -> memref<1x512x32xf32, #tpu.memory_space<hbm>>
    %dma_start3A_131 = tpu.memref_squeeze %dma_start3A_130 : memref<1x512x32xf32, #tpu.memory_space<hbm>> -> memref<512x32xf32, #tpu.memory_space<hbm>>
    tpu.enqueue_dma source(%arg8 : memref<512x32xf32, #tpu.memory_space<vmem>>) target(%dma_start3A_131 : memref<512x32xf32, #tpu.memory_space<hbm>>) target_semaphore(%arg14 : memref<!tpu.dma_semaphore, #tpu.memory_space<semaphore_mem>>)
    %dma_start3A_132 = arith.constant 49 : i32
    %dma_start3A_133 = tpu.memref_slice %arg3[%dma_start3A_132, %mul3A_2] : memref<50x16384xi32, #tpu.memory_space<hbm>> -> memref<1x512xi32, #tpu.memory_space<hbm>>
    %dma_start3A_134 = tpu.memref_squeeze %dma_start3A_133 : memref<1x512xi32, #tpu.memory_space<hbm>> -> memref<512xi32, #tpu.memory_space<hbm>>
    %dma_start3A_135 = tpu.memref_slice %arg3[%dma_start3A_132, %mul3A_2] : memref<50x16384xi32, #tpu.memory_space<hbm>> -> memref<1x512xi32, #tpu.memory_space<hbm>>
    %dma_start3A_136 = tpu.memref_squeeze %dma_start3A_135 : memref<1x512xi32, #tpu.memory_space<hbm>> -> memref<512xi32, #tpu.memory_space<hbm>>
    tpu.enqueue_dma source(%dma_start3A_136 : memref<512xi32, #tpu.memory_space<hbm>>) target(%arg6 : memref<512xi32, #tpu.memory_space<vmem>>) target_semaphore(%arg10 : memref<!tpu.dma_semaphore, #tpu.memory_space<semaphore_mem>>)
    %dma_wait3A_137 = arith.constant 0 : i32
    %dma_wait3A_138 = arith.constant 0 : i32
    %dma_wait3A_139 = tpu.memref_slice %arg2[%dma_wait3A_137, %dma_wait3A_138] : memref<1000000x32xf32, #tpu.memory_space<hbm>> -> memref<1000000x32xf32, #tpu.memory_space<hbm>>
    tpu.wait_indirect_dma semaphore(%arg11 : memref<!tpu.dma_semaphore, #tpu.memory_space<semaphore_mem>>) src(%dma_wait3A_139 : memref<1000000x32xf32, #tpu.memory_space<hbm>>) dst(%arg7 : memref<512x32xf32, #tpu.memory_space<vmem>>)
    %dma_wait3A_140 = arith.constant 47 : i32
    %dma_wait3A_141 = arith.constant 0 : i32
    %dma_wait3A_142 = tpu.memref_slice %arg4[%dma_wait3A_140, %mul3A_2, %dma_wait3A_141] : memref<50x16384x32xf32, #tpu.memory_space<hbm>> -> memref<1x512x32xf32, #tpu.memory_space<hbm>>
    %dma_wait3A_143 = tpu.memref_squeeze %dma_wait3A_142 : memref<1x512x32xf32, #tpu.memory_space<hbm>> -> memref<512x32xf32, #tpu.memory_space<hbm>>
    %dma_wait3A_144 = arith.constant 0 : i32
    %dma_wait3A_145 = tpu.memref_slice %arg4[%dma_wait3A_140, %mul3A_2, %dma_wait3A_144] : memref<50x16384x32xf32, #tpu.memory_space<hbm>> -> memref<1x512x32xf32, #tpu.memory_space<hbm>>
    %dma_wait3A_146 = tpu.memref_squeeze %dma_wait3A_145 : memref<1x512x32xf32, #tpu.memory_space<hbm>> -> memref<512x32xf32, #tpu.memory_space<hbm>>
    tpu.wait_dma2 semaphore(%arg14 : memref<!tpu.dma_semaphore, #tpu.memory_space<semaphore_mem>>) src(%arg8 : memref<512x32xf32, #tpu.memory_space<vmem>>) dst(%dma_wait3A_146 : memref<512x32xf32, #tpu.memory_space<hbm>>)
    %dma_wait3A_147 = arith.constant 49 : i32
    %dma_wait3A_148 = tpu.memref_slice %arg3[%dma_wait3A_147, %mul3A_2] : memref<50x16384xi32, #tpu.memory_space<hbm>> -> memref<1x512xi32, #tpu.memory_space<hbm>>
    %dma_wait3A_149 = tpu.memref_squeeze %dma_wait3A_148 : memref<1x512xi32, #tpu.memory_space<hbm>> -> memref<512xi32, #tpu.memory_space<hbm>>
    %dma_wait3A_150 = tpu.memref_slice %arg3[%dma_wait3A_147, %mul3A_2] : memref<50x16384xi32, #tpu.memory_space<hbm>> -> memref<1x512xi32, #tpu.memory_space<hbm>>
    %dma_wait3A_151 = tpu.memref_squeeze %dma_wait3A_150 : memref<1x512xi32, #tpu.memory_space<hbm>> -> memref<512xi32, #tpu.memory_space<hbm>>
    tpu.wait_dma2 semaphore(%arg10 : memref<!tpu.dma_semaphore, #tpu.memory_space<semaphore_mem>>) src(%dma_wait3A_151 : memref<512xi32, #tpu.memory_space<hbm>>) dst(%arg6 : memref<512xi32, #tpu.memory_space<vmem>>)
    %dma_start3A_152 = arith.constant 0 : i32
    %dma_start3A_153 = arith.constant 0 : i32
    %dma_start3A_154 = tpu.memref_slice %arg2[%dma_start3A_152, %dma_start3A_153] : memref<1000000x32xf32, #tpu.memory_space<hbm>> -> memref<1000000x32xf32, #tpu.memory_space<hbm>>
    tpu.enqueue_indirect_dma source(%dma_start3A_154 : memref<1000000x32xf32, #tpu.memory_space<hbm>>) target(%arg8 : memref<512x32xf32, #tpu.memory_space<vmem>>) offsets(%arg6 : memref<512xi32, #tpu.memory_space<vmem>>) semaphore(%arg12 : memref<!tpu.dma_semaphore, #tpu.memory_space<semaphore_mem>>)
    %dma_start3A_155 = arith.constant 48 : i32
    %dma_start3A_156 = arith.constant 0 : i32
    %dma_start3A_157 = tpu.memref_slice %arg4[%dma_start3A_155, %mul3A_2, %dma_start3A_156] : memref<50x16384x32xf32, #tpu.memory_space<hbm>> -> memref<1x512x32xf32, #tpu.memory_space<hbm>>
    %dma_start3A_158 = tpu.memref_squeeze %dma_start3A_157 : memref<1x512x32xf32, #tpu.memory_space<hbm>> -> memref<512x32xf32, #tpu.memory_space<hbm>>
    %dma_start3A_159 = arith.constant 0 : i32
    %dma_start3A_160 = tpu.memref_slice %arg4[%dma_start3A_155, %mul3A_2, %dma_start3A_159] : memref<50x16384x32xf32, #tpu.memory_space<hbm>> -> memref<1x512x32xf32, #tpu.memory_space<hbm>>
    %dma_start3A_161 = tpu.memref_squeeze %dma_start3A_160 : memref<1x512x32xf32, #tpu.memory_space<hbm>> -> memref<512x32xf32, #tpu.memory_space<hbm>>
    tpu.enqueue_dma source(%arg7 : memref<512x32xf32, #tpu.memory_space<vmem>>) target(%dma_start3A_161 : memref<512x32xf32, #tpu.memory_space<hbm>>) target_semaphore(%arg13 : memref<!tpu.dma_semaphore, #tpu.memory_space<semaphore_mem>>)
    %dma_wait3A_162 = arith.constant 0 : i32
    %dma_wait3A_163 = arith.constant 0 : i32
    %dma_wait3A_164 = tpu.memref_slice %arg2[%dma_wait3A_162, %dma_wait3A_163] : memref<1000000x32xf32, #tpu.memory_space<hbm>> -> memref<1000000x32xf32, #tpu.memory_space<hbm>>
    tpu.wait_indirect_dma semaphore(%arg12 : memref<!tpu.dma_semaphore, #tpu.memory_space<semaphore_mem>>) src(%dma_wait3A_164 : memref<1000000x32xf32, #tpu.memory_space<hbm>>) dst(%arg8 : memref<512x32xf32, #tpu.memory_space<vmem>>)
    %dma_wait3A_165 = arith.constant 48 : i32
    %dma_wait3A_166 = arith.constant 0 : i32
    %dma_wait3A_167 = tpu.memref_slice %arg4[%dma_wait3A_165, %mul3A_2, %dma_wait3A_166] : memref<50x16384x32xf32, #tpu.memory_space<hbm>> -> memref<1x512x32xf32, #tpu.memory_space<hbm>>
    %dma_wait3A_168 = tpu.memref_squeeze %dma_wait3A_167 : memref<1x512x32xf32, #tpu.memory_space<hbm>> -> memref<512x32xf32, #tpu.memory_space<hbm>>
    %dma_wait3A_169 = arith.constant 0 : i32
    %dma_wait3A_170 = tpu.memref_slice %arg4[%dma_wait3A_165, %mul3A_2, %dma_wait3A_169] : memref<50x16384x32xf32, #tpu.memory_space<hbm>> -> memref<1x512x32xf32, #tpu.memory_space<hbm>>
    %dma_wait3A_171 = tpu.memref_squeeze %dma_wait3A_170 : memref<1x512x32xf32, #tpu.memory_space<hbm>> -> memref<512x32xf32, #tpu.memory_space<hbm>>
    tpu.wait_dma2 semaphore(%arg13 : memref<!tpu.dma_semaphore, #tpu.memory_space<semaphore_mem>>) src(%arg7 : memref<512x32xf32, #tpu.memory_space<vmem>>) dst(%dma_wait3A_171 : memref<512x32xf32, #tpu.memory_space<hbm>>)
    %dma_start3A_172 = arith.constant 49 : i32
    %dma_start3A_173 = arith.constant 0 : i32
    %dma_start3A_174 = tpu.memref_slice %arg4[%dma_start3A_172, %mul3A_2, %dma_start3A_173] : memref<50x16384x32xf32, #tpu.memory_space<hbm>> -> memref<1x512x32xf32, #tpu.memory_space<hbm>>
    %dma_start3A_175 = tpu.memref_squeeze %dma_start3A_174 : memref<1x512x32xf32, #tpu.memory_space<hbm>> -> memref<512x32xf32, #tpu.memory_space<hbm>>
    %dma_start3A_176 = arith.constant 0 : i32
    %dma_start3A_177 = tpu.memref_slice %arg4[%dma_start3A_172, %mul3A_2, %dma_start3A_176] : memref<50x16384x32xf32, #tpu.memory_space<hbm>> -> memref<1x512x32xf32, #tpu.memory_space<hbm>>
    %dma_start3A_178 = tpu.memref_squeeze %dma_start3A_177 : memref<1x512x32xf32, #tpu.memory_space<hbm>> -> memref<512x32xf32, #tpu.memory_space<hbm>>
    tpu.enqueue_dma source(%arg8 : memref<512x32xf32, #tpu.memory_space<vmem>>) target(%dma_start3A_178 : memref<512x32xf32, #tpu.memory_space<hbm>>) target_semaphore(%arg14 : memref<!tpu.dma_semaphore, #tpu.memory_space<semaphore_mem>>)
    %dma_wait3A_179 = arith.constant 49 : i32
    %dma_wait3A_180 = arith.constant 0 : i32
    %dma_wait3A_181 = tpu.memref_slice %arg4[%dma_wait3A_179, %mul3A_2, %dma_wait3A_180] : memref<50x16384x32xf32, #tpu.memory_space<hbm>> -> memref<1x512x32xf32, #tpu.memory_space<hbm>>
    %dma_wait3A_182 = tpu.memref_squeeze %dma_wait3A_181 : memref<1x512x32xf32, #tpu.memory_space<hbm>> -> memref<512x32xf32, #tpu.memory_space<hbm>>
    %dma_wait3A_183 = arith.constant 0 : i32
    %dma_wait3A_184 = tpu.memref_slice %arg4[%dma_wait3A_179, %mul3A_2, %dma_wait3A_183] : memref<50x16384x32xf32, #tpu.memory_space<hbm>> -> memref<1x512x32xf32, #tpu.memory_space<hbm>>
    %dma_wait3A_185 = tpu.memref_squeeze %dma_wait3A_184 : memref<1x512x32xf32, #tpu.memory_space<hbm>> -> memref<512x32xf32, #tpu.memory_space<hbm>>
    tpu.wait_dma2 semaphore(%arg14 : memref<!tpu.dma_semaphore, #tpu.memory_space<semaphore_mem>>) src(%arg8 : memref<512x32xf32, #tpu.memory_space<vmem>>) dst(%dma_wait3A_185 : memref<512x32xf32, #tpu.memory_space<hbm>>)
    return
  }
}

</mosaic_0001>

<sc_bundles>
// kernel: _embed_lookup.3.cloned.1.call-start
scs
__scs_entry_jumppad:
0x0: {  	(pc) =	sbr.rel $0x88, $3  }
0x1: {  	(tag) =	ssettag $0x0;
	lr =	simm.s32 $0x1  }
0x2: {  	[smem:$0x3F9F] =	sst lr;
	_ =	strace $0xD0000000  }
0x3: {  	_ = 	snop  }
0x4: {  	_ = 	snop  }
0x5: {  	_ = 	snop  }
0x6: {  	_ = 	snop  }
0x7: {  	_ = 	snop  }
__scs_overlays_trampoline_lowered:
0x8: {  	[smem:$0x3FAE] =	sst s0  }
0x9: {  	[smem:$0x3FAF] =	sst s1  }
0xa: {  	[smem:$0x3FB0] =	sst s2  }
0xb: {  	[smem:$0x3FB1] =	sst s3  }
0xc: {  	[smem:$0x3FB2] =	sst s4  }
0xd: {  	[smem:$0x3FB3] =	sst s5  }
0xe: {  	[smem:$0x3FB4] =	sst s6  }
0xf: {  	[smem:$0x3FB5] =	sst s7  }
0x10: {  	[smem:$0x3FB6] =	sst s8  }
0x11: {  	[smem:$0x3FB7] =	sst s9;
	s0 =	simm.s32 @!p0 $0x0  }
0x12: {  	s1 =	sld [smem:$0x3F9D];
	s0 =	simm.s32 @p0 $0x1  }
0x13: {  	[smem:$0x3FB8] =	sst s0;
	s0 =	simm.s32 @!p1 $0x0  }
0x14: {  	s2 =	sld [smem:$0x3F9C];
	s0 =	simm.s32 @p1 $0x1  }
0x15: {  	[smem:$0x3FB9] =	sst s0;
	s0 =	simm.s32 @!p2 $0x0  }
0x16: {  	s3 =	sld [smem:$0x3FDB];
	s0 =	simm.s32 @p2 $0x1  }
0x17: {  	s4 =	simm.s32 $0x1BF5;
	[smem:$0x3FBB] =	sst s0  }
0x18: {  	s0 =	sld [smem:$0x3F9E];
	_ =	swait.ge [sflag:s4], $0x0  }
0x19: {  	s7 =	sld [smem:$0x3F9F]  }
0x1a: {  	s8 =	sadd.s32 $0xFFFFE003, lr  }
0x1b: {  	s9 =	sadd.s32 $0xFFFFFEF7, lr;
	s5 =	simm.s32 $0xFFFFFFFF;
	p2 =	slt.u32 s8, $0xFFFFF086  }
0x1c: {  	p1 =	slt.u32 s9, $0xF7A;
	s5 =	simm.s32 @!p2 $0x0  }
0x1d: {  	s5 =	simm.s32 @p1 $0x1;
	p0 =	seq.s32 s7, s2  }
0x1e: {  	s7 =	smul.u32 @!p0 $0xF7A, s2;
	p2 =	seq.s32 @!p0 s5, $0x0  }
0x1f: {  	s9 =	smul.u32 $0xF7A, s1;
	s8 =	simm.s32 @!p0 $0x1BF5;
	p2 =	por !p2, p0  }
0x20: {  	[sflag:s8] =	ssyncset.s32 @!p0 $0xFFFFF086;
	s6 =	sadd.s32 @!p0 s3, s7;
	s7 =	simm.s32 @!p0 $0x108  }
0x21: {  	s3 =	sadd.s32 s3, s9;
	s6 =	sadd.s32 @!p0 $0x88, s6;
	s7 =	simm.s32 @p2 $0x1082  }
0x22: {  	[simem:s7], [sflag:s8] =	dma.local @!p0 [hbm:s6], $0xF7A  }
0x23: {  	s9 =	sor.u32 $0xD0000000, s2;
	s6 =	simm.s32 $0x108;
	_ =	swait.ge @!p0 [sflag:s8], $0x0  }
0x24: {  	s3 =	sadd.s32 $0x88, s3;
	s6 =	simm.s32 @!p1 $0x1082;
	[sflag:s4] =	ssyncset.s32 $0xFFFFF086  }
0x25: {  	[simem:s6], [sflag:s4] =	dma.local [hbm:s3], $0xF7A  }
0x26: {  	[smem:$0x3F9F] =	sst s1;
	(tag) =	ssettag s2;
	_ =	strace s9  }
0x27: {  	s1 =	sld [smem:$0x3FAF]  }
0x28: {  	s2 =	sld [smem:$0x3FB0]  }
0x29: {  	s4 =	sld [smem:$0x3FB2]  }
0x2a: {  	p0 =	seq.s32 s5, $0x0;
	s5 =	sld [smem:$0x3FB3]  }
0x2b: {  	s6 =	sld [smem:$0x3FB4]  }
0x2c: {  	s7 =	sld [smem:$0x3FB5]  }
0x2d: {  	s3 =	simm.s32 $0x108;
	s8 =	sld [smem:$0x3FB6]  }
0x2e: {  	s3 =	simm.s32 @!p0 $0x1082;
	s9 =	sld [smem:$0x3FB7]  }
0x2f: {  	lr =	sadd.s32 s0, s3;
	s0 =	sld [smem:$0x3FAE]  }
0x30: {  	s3 =	sld [smem:$0x3FB1]  }
0x31: {  	[smem:$0x3FBA] =	sst s10  }
0x32: {  	s10 =	sld [smem:$0x3FB8];
	_ =	sdelay $0x3  }
0x33: {  	p0 =	seq.s32 s10, $0x1;
	s10 =	sld [smem:$0x3FBA];
	_ =	sdelay $0x3  }
0x34: {  	[smem:$0x3FBA] =	sst s10  }
0x35: {  	s10 =	sld [smem:$0x3FB9];
	_ =	sdelay $0x3  }
0x36: {  	p1 =	seq.s32 s10, $0x1;
	s10 =	sld [smem:$0x3FBA];
	_ =	sdelay $0x3  }
0x37: {  	[smem:$0x3FBA] =	sst s10  }
0x38: {  	s10 =	sld [smem:$0x3FBB]  }
0x39: {  	_ = 	snop;
	(pc) =	sbr.ind lr, $3  }
0x3a: {  	_ = 	snop  }
0x3b: {  	_ = 	snop  }
0x3c: {  	p2 =	seq.s32 s10, $0x1;
	s10 =	sld [smem:$0x3FBA]  }
0x3d: {  	_ =	shalt  }
0x3e: {  	_ =	shalt  }
0x3f: {  	_ =	shalt  }
0x40: {  	_ =	shalt  }
0x41: {  	_ =	shalt  }
0x42: {  	_ =	shalt  }
0x43: {  	_ =	shalt  }
0x44: {  	_ =	shalt  }
0x45: {  	_ =	shalt  }
0x46: {  	_ =	shalt  }
0x47: {  	_ =	shalt  }
0x48: {  	_ =	shalt  }
0x49: {  	_ =	shalt  }
0x4a: {  	_ =	shalt  }
0x4b: {  	_ =	shalt  }
0x4c: {  	_ =	shalt  }
0x4d: {  	_ =	shalt  }
0x4e: {  	_ =	shalt  }
0x4f: {  	_ =	shalt  }
0x50: {  	_ =	shalt  }
0x51: {  	_ =	shalt  }
0x52: {  	_ =	shalt  }
0x53: {  	_ =	shalt  }
0x54: {  	_ =	shalt  }
0x55: {  	_ =	shalt  }
0x56: {  	_ =	shalt  }
0x57: {  	_ =	shalt  }
0x58: {  	_ =	shalt  }
0x59: {  	_ =	shalt  }
0x5a: {  	_ =	shalt  }
0x5b: {  	_ =	shalt  }
0x5c: {  	_ =	shalt  }
0x5d: {  	_ =	shalt  }
0x5e: {  	_ =	shalt  }
0x5f: {  	_ =	shalt  }
0x60: {  	_ =	shalt  }
0x61: {  	_ =	shalt  }
0x62: {  	_ =	shalt  }
0x63: {  	_ =	shalt  }
0x64: {  	_ =	shalt  }
0x65: {  	_ =	shalt  }
0x66: {  	_ =	shalt  }
0x67: {  	_ =	shalt  }
0x68: {  	_ =	shalt  }
0x69: {  	_ =	shalt  }
0x6a: {  	_ =	shalt  }
0x6b: {  	_ =	shalt  }
0x6c: {  	_ =	shalt  }
0x6d: {  	_ =	shalt  }
0x6e: {  	_ =	shalt  }
0x6f: {  	_ =	shalt  }
0x70: {  	_ =	shalt  }
0x71: {  	_ =	shalt  }
0x72: {  	_ =	shalt  }
0x73: {  	_ =	shalt  }
0x74: {  	_ =	shalt  }
0x75: {  	_ =	shalt  }
0x76: {  	_ =	shalt  }
0x77: {  	_ =	shalt  }
0x78: {  	_ =	shalt  }
0x79: {  	_ =	shalt  }
0x7a: {  	_ =	shalt  }
0x7b: {  	_ =	shalt  }
0x7c: {  	_ =	shalt  }
0x7d: {  	_ =	shalt  }
0x7e: {  	_ =	shalt  }
0x7f: {  	_ =	shalt  }
0x80: {  	_ =	shalt  }
0x81: {  	_ =	shalt  }
0x82: {  	_ =	shalt  }
0x83: {  	_ =	shalt  }
0x84: {  	_ =	shalt  }
0x85: {  	_ =	shalt  }
0x86: {  	_ =	shalt  }
0x87: {  	_ =	shalt  }
.Lfunc_end0:
.L_simem_size_0:
called_computation.1_lowered:
.L_overlay_start_0:
0x88: {  	s2 =	sld [smem:$0x3FD9]  }
0x89: {  	s3 =	sld [smem:$0x3FFE];
	_ =	sdelay $0x1  }
0x8a: {  	s1 =	srdreg.scid  }
0x8b: {  	s0 =	sand.u32 $0x1, s1  }
0x8c: {  	s17 =	sshll.u32 s0, $0xA;
	s2 =	sadd.s32 s3, s2  }
0x8d: {  	s2 =	sadd.s32 s2, s17  }
0x8e: {  	[smem:$0x3FC6] =	sst s2  }
0x8f: {  	_ = 	snop  }
0x90: {  	s2 =	sld [smem:$0x3FD0];
	(tm) =	ssettm $0x1  }
0x91: {  	s18 =	sld [smem:$0x3FFB];
	_ =	sdelay $0x3  }
0x92: {  	_ =	strace s18  }
0x93: {  	s3 =	sld [smem:$0x3FFC];
	_ =	sdelay $0x3  }
0x94: {  	_ =	strace s3  }
0x95: {  	s3 =	sld [smem:$0x3FFD];
	_ =	sdelay $0x3  }
0x96: {  	_ =	strace s3  }
0x97: {  	_ =	strace $0x8FFFFFFF  }
0x98: {  	s19 =	sld [smem:$0x3FDB];
	_ =	sdelay $0x1  }
0x99: {  	s4 =	simm.s32 $_scs_section_size  }
0x9a: {  	s5 =	simm.s32 $_size__tile_overlayer_lowered;
	s6 =	simm.s32 $_tile_overlayer_lowered  }
0x9b: {  	s22 =	simm.s32 $0x1BFF;
	s21 =	sshll.u32 s6, $0x1;
	s3 =	sadd.s32 s4, s19  }
0x9c: {  	s7 =	simm.s32 $0x0;
	s20 =	sshll.u32 s5, $0x1;
	s5 =	sadd.s32 s21, s3  }
0x9d: {  	[timem:s7], [sflag:s22] =	dma.local [hbm:s5], s20  }
0x9e: {  	_ =	swait.ge [sflag:s22], s20  }
0x9f: {  	s4 =	ssub.s32 $0x0, s20;
	[sflag:s22] =	ssyncset.done $0x0  }
0xa0: {  	[sflag:s22] =	ssyncadd.s32 s4;
	_ =	sdelay $0x1  }
0xa1: {  	s23 =	simm.s32 $0x1B8B  }
0xa2: {  	_ =	swait.ge [sflag:s23], $0x1  }
0xa3: {  	[sflag:s23] =	ssyncset.done $0x0  }
0xa4: {  	s25 =	simm.s32 $0x1B8E;
	s24 =	sld [smem:$0x3FFE];
	[sflag:s23] =	ssyncadd.s32 $0xFFFFFFFF  }
0xa5: {  	s26 =	simm.s32 $execute0_lowered;
	[smem:$0x3FD2] =	sst s25  }
0xa6: {  	s5 =	sshll.u32 s26, $0x1;
	_ =	strace $0x80000046;
	[dreg:$0x1] =	wrdreg $0xFFFFFFFF  }
0xa7: {  	s28 =	simm.s32 $_size_execute0_lowered;
	s3 =	sadd.s32 s3, s5;
	[dreg:$0x0] =	wrdreg $0x0  }
0xa8: {  	s5 =	sshll.u32 s28, $0x1;
	[dreg:$0x2] =	wrdreg s3  }
0xa9: {  	[dreg:$0x3] =	wrdreg s5  }
0xaa: {  	[dreg:$0x4] =	wrdreg $0xC0  }
0xab: {  	_ =	task [dreg:s7], $0x5FFFF  }
0xac: {  	[dreg:$0x1] =	wrdreg $0xFFFFFFFF  }
0xad: {  	[dreg:$0x0] =	wrdreg $0x60  }
0xae: {  	[dreg:$0x2] =	wrdreg s24  }
0xaf: {  	[dreg:$0x3] =	wrdreg s2  }
0xb0: {  	[dreg:$0x4] =	wrdreg $0x9  }
0xb1: {  	_ =	task.clear_ibuf [dreg:s7], $0x5FFFF;
	_ =	strace $0x90000046  }
0xb2: {  	s29 =	simm.s32 $0x9;
	_ =	strace $0x80000048  }
0xb3: {  	_ =	swait.ge [sflag:s29], $0x1  }
0xb4: {  	[sflag:s29] =	ssyncadd.s32 $0xFFFFFFFF  }
0xb5: {  	_ =	strace $0x90000048  }
0xb6: {  	_ =	sfence  }
0xb7: {  	s30 =	sld [smem:$0x0];
	_ =	sdelay $0x2  }
0xb8: {  	s31 =	sshll.u32 s1, $0xD;
	s1 =	sshrl.u32 s1, $0x2  }
0xb9: {  	s3 =	sand.u32 $0x4000, s31;
	s1 =	sadd.s32 s1, s30  }
0xba: {  	s0 =	sor.u32 s3, s0;
	s1 =	sshll.u32 s1, $0x11  }
0xbb: {  	s0 =	sor.u32 s1, s0  }
0xbc: {  	s0 =	sadd.s32 $0x8F2B, s0  }
0xbd: {  	[sflag:s0] =	ssyncadd.remote.s32 $0x1  }
0xbe: {  	_ =	sfence.sel $0xFFFF  }
0xbf: {  	[dreg:$0x0] =	wrdreg $0xFFFFFFFF;
	(pc) =	sbr.abs _section_cstart, $3  }
0xc0: {  	[dreg:$0x1] =	wrdreg $0xFFFFFFFF  }
0xc1: {  	_ =	task.clear_ibuf [dreg:s7], $0x2FFFF;
	_ =	strace $0x9FFFFFFF  }
0xc2: {  	(tm) =	ssettm $0x7FFFFFFF  }
0xc3: {  	_ =	shalt  }
tec
execute0_lowered:
.L_overlay_start_1:
0x0: {  	(tag) =	ssettag $0x1  }
0x1: {  	s0 =	rddreg [dreg:$0x0]  }
0x2: {  	s1 =	rddreg [dreg:$0x1]  }
0x3: {  	s2 =	simm.s32 $0x0;
	s3 =	srdreg.scid;
	s12 =	stileid.u32  }
0x4: {  	s28 =	simm.s32 $0x4400;
	s29 =	simm.s32 $0x4;
	s30 =	simm.s32 $0x5  }
0x5: {  	s31 =	simm.s32 $0x6;
	[smem:$0x7FF] =	sst s2;
	s5 =	sand.u32 $0x1, s3  }
0x6: {  	s4 =	sshll.u32 s12, $0xA;
	s3 =	sadd.s32 $0xF42E00, s0;
	s0 =	sadd.s32 $0xA00, s0  }
0x7: {  	s14 =	sshll.u32 s12, $0xF;
	_ =	strace $0x80000047;
	s6 =	sshll.u32 s5, $0x9  }
0x8: {  	s7 =	ssub.s32 $0x2, s5;
	s5 =	sshll.u32 s5, $0xE;
	s8 =	sor.u32 s6, s4  }
0x9: {  	s22 =	sshrl.u32 s7, $0x1;
	s5 =	sor.u32 s5, s14;
	s6 =	sshrl.u32 s8, $0x3  }
0xa: {  	s9 =	ssub.s32 s7, s22;
	s10 =	sshll.u32 s8, $0x2;
	s7 =	sadd.s32 $0x10000, s1  }
0xb: {  	s18 =	sor.u32 $0x200000, s5;
	s25 =	sor.u32 $0x18000, s8;
	s8 =	sor.u32 $0x14000, s8  }
0xc: {  	s19 =	sor.u32 $0x100000, s5;
	s22 =	simm.s32 $0x1;
	s4 =	sadd.s32 s0, s6  }
0xd: {  	s17 =	smax.u32 s9, $0x1;
	s24 =	sshrl.u32 s18, $0x3;
	s26 =	sshrl.u32 s8, $0x3  }
0xe: {  	s6 =	sadd.s32 $0x800, s4;
	s11 =	sadd.s32 $0x1000, s4;
	s23 =	sadd.s32 $0x1800, s4  }
0xf: {  	s12 =	sadd.s32 $0x2000, s4;
	s14 =	sadd.s32 $0x18800, s4;
	s18 =	sadd.s32 s24, s1  }
0x10: {  	s21 =	sadd.s32 s26, s0;
	s24 =	simm.s32 $0x400;
	[dreg:$0x3] =	wrdreg s6  }
0x11: {  	s26 =	simm.s32 $0x2;
	s6 =	sadd.s32 s1, s10;
	[dreg:$0x4] =	wrdreg s11  }
0x12: {  	s10 =	sadd.s32 s10, s7;
	[dreg:$0x6] =	wrdreg s23;
	s1 =	sshrl.u32 s25, $0x3  }
0x13: {  	s23 =	simm.s32 $0x200;
	s25 =	simm.s32 $0x3;
	[dreg:$0x5] =	wrdreg s10  }
0x14: {  	s11 =	sadd.s32 $0x20000, s6;
	s13 =	sadd.s32 $0x2F0000, s6;
	s15 =	sadd.s32 $0x300000, s6  }
0x15: {  	s16 =	sadd.s32 $0x310000, s6;
	s20 =	sadd.s32 s1, s0;
	s0 =	simm.s32 $0x0  }
.LBB2_1:
0x16: {  	[tilespmem:s2], [sflag:$0x1] =	stream.linear.gather [hbm4b:s4+s2], $0x200, $0x38;
	[tilespmem:$0x8400] =	vst v63  }
0x17: {  	_ =	swait.ge [sflag:s22], $0x200  }
0x18: {  	[sflag:s22] =	ssyncset.done $0x0  }
0x19: {  	[sflag:s22] =	ssyncadd.s32 $0xFFFFFE00  }
0x1a: {  	[tilespmem:s24], [sflag:$0x3] =	stream.indirect.gather [hbm4b:s3+s23], $0x20, s2, s23, $0xb8;
	[tilespmem:$0x8400] =	vst v63  }
0x1b: {  	s1 =	rddreg [dreg:$0x3]  }
0x1c: {  	[tilespmem:s23], [sflag:$0x2] =	stream.linear.gather [hbm4b:s1+s2], $0x200, $0x38;
	[tilespmem:$0x8400] =	vst v63  }
0x1d: {  	_ =	swait.ge [sflag:s25], $0x4000  }
0x1e: {  	[sflag:s25] =	ssyncset.done $0x0  }
0x1f: {  	[sflag:s25] =	ssyncadd.s32 $0xFFFFC000  }
0x20: {  	_ =	swait.ge [sflag:s26], $0x200  }
0x21: {  	[sflag:s26] =	ssyncset.done $0x0  }
0x22: {  	[sflag:s26] =	ssyncadd.s32 $0xFFFFFE00  }
0x23: {  	[tilespmem:s28], [sflag:$0x4] =	stream.indirect.gather [hbm4b:s3+s23], $0x20, s23, s23, $0xb8;
	[tilespmem:$0x8400] =	vst v63  }
0x24: {  	_ = 	snop  }
0x25: {  	[hbm4b:s6+s2] =	stream.linear.scatter [tilespmem:s24], [sflag:$0x5], $0x4000, $0x38;
	[tilespmem:$0x8400] =	vst v63  }
0x26: {  	s10 =	rddreg [dreg:$0x4]  }
0x27: {  	[tilespmem:s2], [sflag:$0x1] =	stream.linear.gather [hbm4b:s10+s2], $0x200, $0x38;
	[tilespmem:$0x8400] =	vst v63  }
0x28: {  	_ =	swait.ge [sflag:s29], $0x4000  }
0x29: {  	[sflag:s29] =	ssyncset.done $0x0  }
0x2a: {  	[sflag:s29] =	ssyncadd.s32 $0xFFFFC000  }
0x2b: {  	_ =	swait.ge [sflag:s30], $0x4000  }
0x2c: {  	[sflag:s30] =	ssyncset.done $0x0  }
0x2d: {  	[sflag:s30] =	ssyncadd.s32 $0xFFFFC000  }
0x2e: {  	_ =	swait.ge [sflag:s22], $0x200  }
0x2f: {  	[sflag:s22] =	ssyncset.done $0x0  }
0x30: {  	[sflag:s22] =	ssyncadd.s32 $0xFFFFFE00  }
0x31: {  	[tilespmem:s24], [sflag:$0x3] =	stream.indirect.gather [hbm4b:s3+s23], $0x20, s2, s23, $0xb8;
	[tilespmem:$0x8400] =	vst v63  }
0x32: {  	s5 =	rddreg [dreg:$0x5]  }
0x33: {  	[hbm4b:s5+s2] =	stream.linear.scatter [tilespmem:s28], [sflag:$0x6], $0x4000, $0x38;
	[tilespmem:$0x8400] =	vst v63  }
0x34: {  	s8 =	rddreg [dreg:$0x6]  }
0x35: {  	[tilespmem:s23], [sflag:$0x2] =	stream.linear.gather [hbm4b:s8+s2], $0x200, $0x38;
	[tilespmem:$0x8400] =	vst v63  }
0x36: {  	_ =	swait.ge [sflag:s25], $0x4000  }
0x37: {  	[sflag:s25] =	ssyncset.done $0x0  }
0x38: {  	[sflag:s25] =	ssyncadd.s32 $0xFFFFC000  }
0x39: {  	_ =	swait.ge [sflag:s31], $0x4000  }
0x3a: {  	[sflag:s31] =	ssyncset.done $0x0  }
0x3b: {  	[sflag:s31] =	ssyncadd.s32 $0xFFFFC000  }
0x3c: {  	_ =	swait.ge [sflag:s26], $0x200  }
0x3d: {  	[sflag:s26] =	ssyncset.done $0x0  }
0x3e: {  	[sflag:s26] =	ssyncadd.s32 $0xFFFFFE00  }
0x3f: {  	[tilespmem:s28], [sflag:$0x4] =	stream.indirect.gather [hbm4b:s3+s23], $0x20, s23, s23, $0xb8;
	[tilespmem:$0x8400] =	vst v63  }
0x40: {  	_ = 	snop  }
0x41: {  	[hbm4b:s11+s2] =	stream.linear.scatter [tilespmem:s24], [sflag:$0x5], $0x4000, $0x38;
	[tilespmem:$0x8400] =	vst v63  }
0x42: {  	_ = 	snop  }
0x43: {  	[tilespmem:s2], [sflag:$0x1] =	stream.linear.gather [hbm4b:s12+s2], $0x200, $0x38;
	[tilespmem:$0x8400] =	vst v63  }
0x44: {  	_ =	swait.ge [sflag:s29], $0x4000  }
0x45: {  	[sflag:s29] =	ssyncset.done $0x0  }
0x46: {  	[sflag:s29] =	ssyncadd.s32 $0xFFFFC000  }
0x47: {  	_ =	swait.ge [sflag:s30], $0x4000  }
0x48: {  	[sflag:s30] =	ssyncset.done $0x0  }
0x49: {  	[sflag:s30] =	ssyncadd.s32 $0xFFFFC000  }
0x4a: {  	_ =	swait.ge [sflag:s22], $0x200  }
0x4b: {  	[sflag:s22] =	ssyncset.done $0x0  }
0x4c: {  	s9 =	sshrl.u32 s19, $0x3;
	[sflag:s22] =	ssyncadd.s32 $0xFFFFFE00  }
0x4d: {  	[tilespmem:s24], [sflag:$0x3] =	stream.indirect.gather [hbm4b:s3+s23], $0x20, s2, s23, $0xb8;
	[tilespmem:$0x8400] =	vst v63  }
0x4e: {  	s1 =	sadd.s32 s9, s7  }
0x4f: {  	[hbm4b:s1+s2] =	stream.linear.scatter [tilespmem:s28], [sflag:$0x6], $0x4000, $0x38;
	[tilespmem:$0x8400] =	vst v63  }
0x50: {  	s10 =	sadd.s32 $0x0, s21  }
0x51: {  	[tilespmem:s23], [sflag:$0x2] =	stream.linear.gather [hbm4b:s10+s2], $0x200, $0x38;
	[tilespmem:$0x8400] =	vst v63  }
0x52: {  	_ =	swait.ge [sflag:s25], $0x4000  }
0x53: {  	[sflag:s25] =	ssyncset.done $0x0  }
0x54: {  	[sflag:s25] =	ssyncadd.s32 $0xFFFFC000  }
0x55: {  	_ =	swait.ge [sflag:s31], $0x4000  }
0x56: {  	[sflag:s31] =	ssyncset.done $0x0  }
0x57: {  	[sflag:s31] =	ssyncadd.s32 $0xFFFFC000  }
0x58: {  	_ =	swait.ge [sflag:s26], $0x200  }
0x59: {  	[sflag:s26] =	ssyncset.done $0x0  }
0x5a: {  	s9 =	sadd.s32 $0x0, s20;
	[sflag:s26] =	ssyncadd.s32 $0xFFFFFE00  }
0x5b: {  	[tilespmem:s28], [sflag:$0x4] =	stream.indirect.gather [hbm4b:s3+s23], $0x20, s23, s23, $0xb8;
	[tilespmem:$0x8400] =	vst v63  }
0x5c: {  	s5 =	sadd.s32 $0x20000, s18;
	s8 =	sadd.s32 $0x100000, s19;
	s1 =	simm.s32 $0x1000  }
0x5d: {  	[hbm4b:s18+s2] =	stream.linear.scatter [tilespmem:s24], [sflag:$0x5], $0x4000, $0x38;
	[tilespmem:$0x8400] =	vst v63  }
.LBB2_2:
0x5e: {  	[tilespmem:s2], [sflag:$0x1] =	stream.linear.gather [hbm4b:s9+s2], $0x200, $0x38;
	[tilespmem:$0x8400] =	vst v63  }
0x5f: {  	s9 =	smov.u32 s1  }
0x60: {  	p0 =	sne.s32 s1, $0x15000;
	s1 =	sadd.s32 $0x1000, s1;
	_ =	swait.ge [sflag:s29], $0x4000  }
0x61: {  	[sflag:s29] =	ssyncset.done $0x0  }
0x62: {  	[sflag:s29] =	ssyncadd.s32 $0xFFFFC000  }
0x63: {  	_ =	swait.ge [sflag:s30], $0x4000  }
0x64: {  	[sflag:s30] =	ssyncset.done $0x0  }
0x65: {  	[sflag:s30] =	ssyncadd.s32 $0xFFFFC000  }
0x66: {  	_ =	swait.ge [sflag:s22], $0x200  }
0x67: {  	[sflag:s22] =	ssyncset.done $0x0  }
0x68: {  	s10 =	sshrl.u32 s8, $0x3;
	[sflag:s22] =	ssyncadd.s32 $0xFFFFFE00  }
0x69: {  	[tilespmem:s24], [sflag:$0x3] =	stream.indirect.gather [hbm4b:s3+s23], $0x20, s2, s23, $0xb8;
	[tilespmem:$0x8400] =	vst v63  }
0x6a: {  	s10 =	sadd.s32 s10, s7  }
0x6b: {  	[hbm4b:s10+s2] =	stream.linear.scatter [tilespmem:s28], [sflag:$0x6], $0x4000, $0x38;
	[tilespmem:$0x8400] =	vst v63  }
0x6c: {  	s10 =	sadd.s32 s9, s21  }
0x6d: {  	[tilespmem:s23], [sflag:$0x2] =	stream.linear.gather [hbm4b:s10+s2], $0x200, $0x38;
	[tilespmem:$0x8400] =	vst v63  }
0x6e: {  	_ =	swait.ge [sflag:s25], $0x4000  }
0x6f: {  	[sflag:s25] =	ssyncset.done $0x0  }
0x70: {  	[sflag:s25] =	ssyncadd.s32 $0xFFFFC000  }
0x71: {  	_ =	swait.ge [sflag:s31], $0x4000  }
0x72: {  	[sflag:s31] =	ssyncset.done $0x0  }
0x73: {  	[sflag:s31] =	ssyncadd.s32 $0xFFFFC000  }
0x74: {  	_ =	swait.ge [sflag:s26], $0x200  }
0x75: {  	[sflag:s26] =	ssyncset.done $0x0  }
.Ltmp0:
0x76: {  	[sflag:s26] =	ssyncadd.s32 $0xFFFFFE00;
	(pc) =	sbr.rel @p0 .LBB2_2-.Ltmp0, $4  }
0x77: {  	[tilespmem:s28], [sflag:$0x4] =	stream.indirect.gather [hbm4b:s3+s23], $0x20, s23, s23, $0xb8;
	[tilespmem:$0x8400] =	vst v63  }
0x78: {  	_ = 	snop  }
0x79: {  	[hbm4b:s5+s2] =	stream.linear.scatter [tilespmem:s24], [sflag:$0x5], $0x4000, $0x38;
	[tilespmem:$0x8400] =	vst v63  }
0x7a: {  	s8 =	sadd.s32 $0x100000, s8;
	s9 =	sadd.s32 s9, s20;
	s5 =	sadd.s32 $0x20000, s5  }
0x7b: {  	[tilespmem:s2], [sflag:$0x1] =	stream.linear.gather [hbm4b:s9+s2], $0x200, $0x38;
	[tilespmem:$0x8400] =	vst v63  }
0x7c: {  	_ =	swait.ge [sflag:s29], $0x4000  }
0x7d: {  	[sflag:s29] =	ssyncset.done $0x0  }
0x7e: {  	[sflag:s29] =	ssyncadd.s32 $0xFFFFC000  }
0x7f: {  	_ =	swait.ge [sflag:s30], $0x4000  }
0x80: {  	[sflag:s30] =	ssyncset.done $0x0  }
0x81: {  	[sflag:s30] =	ssyncadd.s32 $0xFFFFC000  }
0x82: {  	_ =	swait.ge [sflag:s22], $0x200  }
0x83: {  	[sflag:s22] =	ssyncset.done $0x0  }
0x84: {  	[sflag:s22] =	ssyncadd.s32 $0xFFFFFE00  }
0x85: {  	[tilespmem:s24], [sflag:$0x3] =	stream.indirect.gather [hbm4b:s3+s23], $0x20, s2, s23, $0xb8;
	[tilespmem:$0x8400] =	vst v63  }
0x86: {  	_ = 	snop  }
0x87: {  	[hbm4b:s13+s2] =	stream.linear.scatter [tilespmem:s28], [sflag:$0x6], $0x4000, $0x38;
	[tilespmem:$0x8400] =	vst v63  }
0x88: {  	_ = 	snop  }
0x89: {  	[tilespmem:s23], [sflag:$0x2] =	stream.linear.gather [hbm4b:s14+s2], $0x200, $0x38;
	[tilespmem:$0x8400] =	vst v63  }
0x8a: {  	_ =	swait.ge [sflag:s25], $0x4000  }
0x8b: {  	[sflag:s25] =	ssyncset.done $0x0  }
0x8c: {  	[sflag:s25] =	ssyncadd.s32 $0xFFFFC000  }
0x8d: {  	_ =	swait.ge [sflag:s31], $0x4000  }
0x8e: {  	[sflag:s31] =	ssyncset.done $0x0  }
0x8f: {  	[sflag:s31] =	ssyncadd.s32 $0xFFFFC000  }
0x90: {  	_ =	swait.ge [sflag:s26], $0x200  }
0x91: {  	[sflag:s26] =	ssyncset.done $0x0  }
0x92: {  	[sflag:s26] =	ssyncadd.s32 $0xFFFFFE00  }
0x93: {  	[tilespmem:s28], [sflag:$0x4] =	stream.indirect.gather [hbm4b:s3+s23], $0x20, s23, s23, $0xb8;
	[tilespmem:$0x8400] =	vst v63  }
0x94: {  	_ = 	snop  }
0x95: {  	[hbm4b:s15+s2] =	stream.linear.scatter [tilespmem:s24], [sflag:$0x5], $0x4000, $0x38;
	[tilespmem:$0x8400] =	vst v63  }
0x96: {  	_ =	swait.ge [sflag:s29], $0x4000  }
0x97: {  	[sflag:s29] =	ssyncset.done $0x0  }
0x98: {  	[sflag:s29] =	ssyncadd.s32 $0xFFFFC000  }
0x99: {  	s0 =	sadd.s32 $0x1, s0;
	_ =	swait.ge [sflag:s30], $0x4000  }
0x9a: {  	p0 =	sne.s32 s0, s17;
	[sflag:s30] =	ssyncset.done $0x0  }
.Ltmp1:
0x9b: {  	[sflag:s30] =	ssyncadd.s32 $0xFFFFC000;
	(pc) =	sbr.rel @p0 .LBB2_1-.Ltmp1, $4  }
0x9c: {  	[hbm4b:s16+s2] =	stream.linear.scatter [tilespmem:s28], [sflag:$0x6], $0x4000, $0x38;
	[tilespmem:$0x8400] =	vst v63  }
0x9d: {  	_ =	swait.ge [sflag:s31], $0x4000  }
0x9e: {  	[sflag:s31] =	ssyncset.done $0x0  }
0x9f: {  	[sflag:s31] =	ssyncadd.s32 $0xFFFFC000  }
0xa0: {  	_ =	sfence.sel $0x180000  }
0xa1: {  	[bflag:$0x0] =	sbarrier.arrive $0xFFFF  }
0xa2: {  	_ =	strace $0x90000047  }
0xa3: {  	s0 =	stileid.u32;
	[bflag:$0x2] =	sbarrier.arrive $0xFFFF  }
0xa4: {  	p0 =	sne.s32 s0, $0x0;
	s0 =	rddreg [dreg:$0x2]  }
0xa5: {  	s0 =	sadd.s32 @!p0 $0x100000, s0  }
0xa6: {  	[sflag:s0] =	ssyncadd.tile.s32 @!p0 $0x1;
	_ =	shalt  }
.Lfunc_end2:
_tile_overlayer_lowered:
.L_overlay_start_2:
0xa7: {  	(tag) =	ssettag $0x2  }
0xa8: {  	s0 =	rddreg [dreg:$0x0];
	s2 =	stileid.u32  }
0xa9: {  	s1 =	rddreg [dreg:$0x1];
	p0 =	sne.s32 s2, $0x0  }
0xaa: {  	s3 =	rddreg [dreg:$0x2];
	[bflag:$0x3] =	sbarrier.arrive $0xFFFF;
	s2 =	simm.s32 @!p0 $0x1C07  }
0xab: {  	[timem:s3], [sflag:s2] =	dma.local @!p0 [hbm:s0], s1  }
0xac: {  	s0 =	simm.s32 @!p0 $0x7  }
0xad: {  	_ =	swait.ge @!p0 [sflag:s0], s1  }
0xae: {  	s1 =	ssub.s32 @!p0 $0x0, s1;
	[sflag:s0] =	ssyncset.done @!p0 $0x0  }
0xaf: {  	[sflag:s0] =	ssyncadd.s32 @!p0 s1  }
0xb0: {  	[bflag:$0x3] =	sbarrier.arrive $0xFFFF  }
0xb1: {  	_ =	shalt  }

// kernel: sparse-core-data-format-call.cloned.1.call-start
scs
called_computation_lowered:
.L_overlay_start_0:
0x0: {  	s2 =	sld [smem:$0x3FD9]  }
0x1: {  	s3 =	sld [smem:$0x3FFE];
	_ =	sdelay $0x1  }
0x2: {  	s1 =	srdreg.scid  }
0x3: {  	s0 =	sand.u32 $0x1, s1  }
0x4: {  	s18 =	sshll.u32 s0, $0xA;
	s2 =	sadd.s32 s3, s2  }
0x5: {  	s2 =	sadd.s32 s2, s18  }
0x6: {  	[smem:$0x3FC6] =	sst s2  }
0x7: {  	_ = 	snop  }
0x8: {  	s2 =	sld [smem:$0x3FD0];
	(tm) =	ssettm $0x1  }
0x9: {  	s19 =	sld [smem:$0x3FFB];
	_ =	sdelay $0x3  }
0xa: {  	_ =	strace s19  }
0xb: {  	s3 =	sld [smem:$0x3FFC];
	_ =	sdelay $0x3  }
0xc: {  	_ =	strace s3  }
0xd: {  	s3 =	sld [smem:$0x3FFD];
	_ =	sdelay $0x3  }
0xe: {  	_ =	strace s3  }
0xf: {  	_ =	strace $0x8FFFFFFF  }
0x10: {  	s20 =	sld [smem:$0x3FDB];
	_ =	sdelay $0x1  }
0x11: {  	s4 =	simm.s32 $_scs_section_size  }
0x12: {  	s5 =	simm.s32 $_size__tile_overlayer_lowered;
	s6 =	simm.s32 $_tile_overlayer_lowered  }
0x13: {  	s23 =	simm.s32 $0x1BFF;
	s22 =	sshll.u32 s6, $0x1;
	s3 =	sadd.s32 s4, s20  }
0x14: {  	s7 =	simm.s32 $0x0;
	s21 =	sshll.u32 s5, $0x1;
	s5 =	sadd.s32 s22, s3  }
0x15: {  	[timem:s7], [sflag:s23] =	dma.local [hbm:s5], s21  }
0x16: {  	_ =	swait.ge [sflag:s23], s21  }
0x17: {  	s4 =	ssub.s32 $0x0, s21;
	[sflag:s23] =	ssyncset.done $0x0  }
0x18: {  	[sflag:s23] =	ssyncadd.s32 s4;
	_ =	sdelay $0x1  }
0x19: {  	s24 =	simm.s32 $0x1B8B  }
0x1a: {  	_ =	swait.ge [sflag:s24], $0x1  }
0x1b: {  	[sflag:s24] =	ssyncset.done $0x0  }
0x1c: {  	s26 =	simm.s32 $0x1B8E;
	s25 =	sld [smem:$0x3FFE];
	[sflag:s24] =	ssyncadd.s32 $0xFFFFFFFF  }
0x1d: {  	s27 =	simm.s32 $execute0_lowered;
	[smem:$0x3FD2] =	sst s26  }
0x1e: {  	s5 =	sshll.u32 s27, $0x1;
	_ =	strace $0x80000049;
	[dreg:$0x1] =	wrdreg $0xFFFFFFFF  }
0x1f: {  	s28 =	simm.s32 $_size_execute0_lowered;
	s3 =	sadd.s32 s3, s5;
	[dreg:$0x0] =	wrdreg $0x0  }
0x20: {  	s5 =	sshll.u32 s28, $0x1;
	[dreg:$0x2] =	wrdreg s3  }
0x21: {  	[dreg:$0x3] =	wrdreg s5  }
0x22: {  	[dreg:$0x4] =	wrdreg $0xC0  }
0x23: {  	_ =	task [dreg:s7], $0x5FFFF  }
0x24: {  	[dreg:$0x1] =	wrdreg $0xFFFFFFFF  }
0x25: {  	[dreg:$0x0] =	wrdreg $0x60  }
0x26: {  	[dreg:$0x2] =	wrdreg s25  }
0x27: {  	[dreg:$0x3] =	wrdreg s2  }
0x28: {  	[dreg:$0x4] =	wrdreg $0x9  }
0x29: {  	_ =	task.clear_ibuf [dreg:s7], $0x5FFFF;
	_ =	strace $0x90000049  }
0x2a: {  	s29 =	simm.s32 $0x9;
	_ =	strace $0x8000004B  }
0x2b: {  	_ =	swait.ge [sflag:s29], $0x1  }
0x2c: {  	[sflag:s29] =	ssyncadd.s32 $0xFFFFFFFF  }
0x2d: {  	_ =	strace $0x9000004B  }
0x2e: {  	_ =	sfence  }
0x2f: {  	s30 =	sld [smem:$0x0];
	_ =	sdelay $0x2  }
0x30: {  	s31 =	sshll.u32 s1, $0xD;
	s1 =	sshrl.u32 s1, $0x2  }
0x31: {  	s3 =	sand.u32 $0x4000, s31;
	s1 =	sadd.s32 s1, s30  }
0x32: {  	s0 =	sor.u32 s3, s0;
	s1 =	sshll.u32 s1, $0x11  }
0x33: {  	s0 =	sor.u32 s1, s0  }
0x34: {  	s0 =	sadd.s32 $0x8F2B, s0  }
0x35: {  	[sflag:s0] =	ssyncadd.remote.s32 $0x1  }
0x36: {  	_ =	sfence.sel $0xFFFF  }
0x37: {  	[dreg:$0x0] =	wrdreg $0xFFFFFFFF;
	(pc) =	sbr.abs _section_cstart, $3  }
0x38: {  	[dreg:$0x1] =	wrdreg $0xFFFFFFFF  }
0x39: {  	_ =	task.clear_ibuf [dreg:s7], $0x2FFFF;
	_ =	strace $0x9FFFFFFF  }
0x3a: {  	(tm) =	ssettm $0x7FFFFFFF  }
0x3b: {  	_ =	shalt  }
tec
execute0_lowered:
.L_overlay_start_1:
0x0: {  	(tag) =	ssettag $0x1  }
0x1: {  	s0 =	srdreg.scid  }
0x2: {  	s1 =	sshll.u32 s0, $0x4  }
0x3: {  	s0 =	stileid.u32;
	s1 =	sand.u32 $0x10, s1  }
0x4: {  	s7 =	rddreg [dreg:$0x0];
	s1 =	sor.u32 s0, s1  }
0x5: {  	s4 =	simm.s32 $0x1;
	s8 =	simm.s32 $0x2;
	s2 =	sshll.u32 s1, $0x7  }
0x6: {  	s13 =	simm.s32 $0x0;
	s9 =	simm.s32 $0x20000;
	s1 =	ssub.s32 $0x4000, s2  }
0x7: {  	s14 =	simm.s32 $0x0;
	s11 =	simm.s32 $0x0;
	s3 =	sand.u32 $0xF80, s1  }
0x8: {  	s12 =	simm.s32 $0x0;
	s5 =	sshrl.u32 s1, $0xC;
	p0 =	sne.s32 s3, $0x0  }
.Ltmp0:
0x9: {  	s1 =	rddreg [dreg:$0x2];
	s4 =	simm.s32 @!p0 $0x0;
	(pc) =	sbr.rel .LBB1_1-.Ltmp0, $4  }
0xa: {  	s6 =	sadd.s32 $0xA00, s7;
	s3 =	rddreg [dreg:$0x1];
	s5 =	sadd.s32 s4, s5  }
0xb: {  	_ =	strace $0x8000004A;
	s4 =	simm.s32 $0x1;
	s5 =	smul.u32 $0x19, s5  }
0xc: {  	s7 =	sadd.s32 $0x40A00, s7;
	s10 =	smov.u32 s2;
	[sflag:s4] =	ssyncpa.u1 $0x0  }
0xd: {  	p0 =	por $0x0, $0x0;
	[sflag:s8] =	ssyncpa.u1 $0x0;
	s8 =	sadd.s32 $0x1, s5  }
.LBB1_7:
0xe: {  	s15 =	sadd.s32 $0x1000, s10  }
0xf: {  	s13 =	sadd.s32 $0x2, s11;
	s17 =	smov.u32 s11;
	p2 =	sgt.s32 s15, $0x3FFF  }
0x10: {  	s17 =	smov.u32 @p2 s13  }
0x11: {  	s15 =	smov.u32 @p2 s2;
	p2 =	sgt.s32 s17, $0x31  }
0x12: {  	s17 =	simm.s32 @p2 $0x0;
	p2 =	sne.s32 s12, s8  }
.Ltmp1:
0x13: {  	p1 =	slt.u32 s12, $0x2;
	(pc) =	sbr.rel @!p2 .LBB1_8-.Ltmp1, $4  }
0x14: {  	s16 =	simm.s32 @!p1 $0x2  }
0x15: {  	s14 =	smov.u32 s11;
	p0 =	por !p0, !p0;
	_ =	swait.ge @!p1 [sflag:s16], $0x2000  }
0x16: {  	s13 =	smov.u32 s10;
	[sflag:s16] =	ssyncset.done @!p1 $0x0;
	s10 =	smov.u32 s15  }
0x17: {  	s12 =	sadd.s32 $0x1, s12;
	[sflag:s16] =	ssyncadd.s32 @!p1 $0xFFFFE000;
	s11 =	smov.u32 s17  }
.LBB1_1:
0x18: {  	p1 =	sge.u32 s12, s5  }
0x19: {  	s15 =	sxor.u32 @!p1 $0xFFFFFFFF, s12;
	s16 =	sshll.u32 @!p1 s11, $0x12  }
0x1a: {  	s17 =	sshll.u32 @!p1 s10, $0x4;
	s19 =	simm.s32 @!p1 $0x20;
	s20 =	simm.s32 @!p1 $0x80  }
0x1b: {  	s15 =	sshll.u32 @!p1 s15, $0xD;
	s17 =	sand.u32 @!p1 $0x3FFF0, s17;
	s18 =	sadd.s32 @!p1 s6, s16  }
0x1c: {  	s16 =	sadd.s32 @!p1 s16, s7;
	s15 =	sand.u32 @!p1 $0x2000, s15;
	s18 =	sadd.s32 @!p1 s17, s18  }
0x1d: {  	[tilespmem:s15], [sflag:$0x1] =	stream.strided.gather @!p1 [hbm4b:s18+s19], $0x1000, s20, s19, $0x38;
	[tilespmem:$0x8080] =	vst v63  }
0x1e: {  	s31 =	sadd.s32 $0xFFFFFFFF, s12;
	s16 =	sadd.s32 @!p1 s17, s16;
	s15 =	sor.u32 @!p1 $0x1000, s15  }
0x1f: {  	[tilespmem:s15], [sflag:$0x1] =	stream.strided.gather @!p1 [hbm4b:s16+s19], $0x1000, s20, s19, $0x38;
	[tilespmem:$0x8080] =	vst v63  }
0x20: {  	p1 =	sge.u32 s31, s5  }
.Ltmp2:
0x21: {  	_ = 	snop;
	(pc) =	sbr.rel @p1 .LBB1_7-.Ltmp2, $1  }
0x22: {  	_ =	sdelay $0x3  }
0x23: {  	s15 =	simm.s32 $0x1;
	s17 =	sand.u32 $0x1, s12  }
0x24: {  	_ =	swait.ge [sflag:s4], $0x2000;
	s15 =	simm.s32 @!p0 $0x0;
	s17 =	smul.u32 $0x8100, s17  }
0x25: {  	p2 =	por $0x1, $0x1;
	[sflag:s4] =	ssyncset.done $0x0;
	s16 =	smul.u32 $0x8100, s15  }
0x26: {  	s18 =	sshll.u32 s15, $0xF;
	[sflag:s4] =	ssyncadd.s32 $0xFFFFE000;
	s30 =	sshrl.u32 s17, $0x2  }
0x27: {  	s31 =	sshrl.u32 s18, $0x2;
	s18 =	simm.s32 $0x0;
	s16 =	sshrl.u32 s16, $0x2  }
0x28: {  	s15 =	sor.u32 $0x4000, s30;
	s17 =	sadd.s32 $0x10, s31;
	s16 =	sor.u32 $0x4000, s16  }
.LBB1_3:
0x29: {  	s19 =	sshll.u32 s18, $0xC  }
0x2a: {  	s19 =	sand.u32 $0x3FFFF000, s19  }
0x2b: {  	s20 =	sadd.s32 s19, s17  }
0x2c: {  	s31 =	smul.u32 $0x4080, s18;
	v1 =	vld [tilespmem:s20+$0x0]  }
0x2d: {  	v0 =	vld [tilespmem:s20+$0xFFFFFFF0]  }
0x2e: {  	s18 =	sshra.s32 s31, $0x2  }
0x2f: {  	s18 =	sadd.s32 s18, s16  }
0x30: {  	s21 =	sadd.s32 $0x0, s18  }
0x31: {  	p1 =	por p2, p2;
	s19 =	simm.s32 $0x4;
	s20 =	sadd.s32 $0x20, s20;
	[tilespmem:s21+$0x810 ss:$0x81] =	vst.msk $0xffff, v1  }
.LBB1_4:
0x32: {  	v1 =	vld [tilespmem:s20+$0x0];
	p2 =	sne.s32 s19, $0x1FC;
	[tilespmem:s21+$0x0 ss:$0x81] =	vst.msk $0xffff, v0;
	s21 =	smov.u32 s19;
	s19 =	sadd.s32 $0x4, s19  }
.Ltmp3:
0x33: {  	v0 =	vld [tilespmem:s20+$0xFFFFFFF0];
	(pc) =	sbr.rel @p2 .LBB1_4-.Ltmp3, $4  }
0x34: {  	_ = 	snop  }
0x35: {  	s21 =	sshra.s32 s21, $0x2  }
0x36: {  	s21 =	sadd.s32 s21, s18  }
0x37: {  	s20 =	sadd.s32 $0x20, s20;
	[tilespmem:s21+$0x810 ss:$0x81] =	vst.msk $0xffff, v1  }
.Ltmp4:
0x38: {  	(pc) =	sbr.rel @p1 .LBB1_3-.Ltmp4, $2  }
0x39: {  	_ =	sdelay $0x2  }
0x3a: {  	[tilespmem:s21+$0x0 ss:$0x81] =	vst.msk $0xffff, v0;
	s18 =	simm.s32 $0x1;
	p2 =	por $0x0, $0x0  }
0x3b: {  	s16 =	sshll.u32 s13, $0x3;
	s17 =	sand.u32 $0x78, s13;
	s14 =	sshll.u32 s14, $0x10  }
.Ltmp5:
0x3c: {  	s30 =	sand.u32 $0xF800, s13;
	s16 =	sand.u32 $0x3C00, s16;
	(pc) =	sbr.rel .LBB1_7-.Ltmp5, $4  }
0x3d: {  	s31 =	sand.u32 $0x7, s13;
	s14 =	sadd.s32 s3, s14;
	s16 =	sor.u32 s17, s16  }
0x3e: {  	s13 =	sshll.u32 s31, $0x12;
	s14 =	sadd.s32 s30, s14;
	s16 =	sshrl.u32 s16, $0x3  }
0x3f: {  	s13 =	sor.u32 $0x400, s13;
	s14 =	sadd.s32 s16, s14  }
0x40: {  	[hbm4b:s14+s13] =	stream.strided.scatter [tilespmem:s15], [sflag:$0x2], $0x2000, s9, s13, $0x20;
	[tilespmem:$0x8080] =	vst v63  }
.LBB1_8:
0x41: {  	_ =	sfence.sel $0x180000  }
0x42: {  	s2 =	simm.s32 $0x1;
	[bflag:$0x0] =	sbarrier.arrive $0xFFFF  }
0x43: {  	s31 =	simm.s32 $0x2;
	[sflag:s2] =	ssyncpa.u1 $0x1  }
0x44: {  	[sflag:s31] =	ssyncpa.u1 $0x1  }
0x45: {  	p0 =	sne.s32 s0, $0x0;
	_ =	strace $0x9000004A  }
0x46: {  	s0 =	sadd.s32 @!p0 $0x100000, s1;
	[bflag:$0x2] =	sbarrier.arrive $0xFFFF  }
0x47: {  	[sflag:s0] =	ssyncadd.tile.s32 @!p0 $0x1;
	_ =	shalt  }
.Lfunc_end1:
_tile_overlayer_lowered:
.L_overlay_start_2:
0x48: {  	(tag) =	ssettag $0x2  }
0x49: {  	s0 =	rddreg [dreg:$0x0];
	s2 =	stileid.u32  }
0x4a: {  	s1 =	rddreg [dreg:$0x1];
	p0 =	sne.s32 s2, $0x0  }
0x4b: {  	s3 =	rddreg [dreg:$0x2];
	[bflag:$0x3] =	sbarrier.arrive $0xFFFF;
	s2 =	simm.s32 @!p0 $0x1C01  }
0x4c: {  	[timem:s3], [sflag:s2] =	dma.local @!p0 [hbm:s0], s1  }
0x4d: {  	s0 =	simm.s32 @!p0 $0x1  }
0x4e: {  	_ =	swait.ge @!p0 [sflag:s0], s1  }
0x4f: {  	s1 =	ssub.s32 @!p0 $0x0, s1;
	[sflag:s0] =	ssyncset.done @!p0 $0x0  }
0x50: {  	[sflag:s0] =	ssyncadd.s32 @!p0 s1  }
0x51: {  	[bflag:$0x3] =	sbarrier.arrive $0xFFFF  }
0x52: {  	_ =	shalt  }

</sc_bundles>
